<compile_context>
chip_gen: v7x
topology: tpu7x:2x2x1
jax: 0.10.2.dev20260603
libtpu: 0.0.44.dev20260713+nightly
codegen_flags: <defaults>
</compile_context>

<pallas_src>
import jax
import jax.numpy as jnp
from jax import lax
from jax.experimental import pallas as pl
from jax.experimental.pallas import tpu as pltpu
from jax.experimental.pallas import tpu_sc as plsc

_N = 100000
_NUM_SP = 1024
_LANE = 128
_TILES = 782
_OUT_FLAT = _TILES * 4 * _LANE
_NUM_CORES = 2
_NW = 32
_TPW = 25
_CHUNK = _TPW * _LANE
_WSTAGE = _TPW * 4 * _LANE
_LAST_BASE = _TILES * _LANE - _CHUNK
_LAST_VALID = _N - _LAST_BASE


def _gather_body(tab, idx, out_t, out_r,
                 tab_v, idx_v, out_t_v, out_r_v, sem):
    wid = lax.axis_index("s") * _NUM_CORES + lax.axis_index("c")
    is_tail = wid == _NW - 1
    base = jnp.where(is_tail, _LAST_BASE, wid * _CHUNK)

    ctab = pltpu.async_copy(tab, tab_v, sem)

    @pl.when(jnp.logical_not(is_tail))
    def _():
        pltpu.sync_copy(idx.at[pl.ds(base, _CHUNK)], idx_v.at[pl.ds(0, _CHUNK)])

    @pl.when(is_tail)
    def _():
        pltpu.sync_copy(idx.at[pl.ds(_LAST_BASE, _LAST_VALID)],
                        idx_v.at[pl.ds(0, _LAST_VALID)])
        zeros = jnp.zeros((16,), jnp.int32)
        for z in range(_LAST_VALID, _CHUNK, 16):
            idx_v[pl.ds(z, 16)] = zeros

    ctab.wait()

    def tile_body(t, carry):
        tbase = t * 512
        gbase = t * 128
        offs = (0, 128, 256, 4096, 4224, 4352)
        sps = [idx_v[pl.ds(gbase + s * 16, 16)] for s in range(8)]
        addrs = [sp + (sp >> 7) * 384 for sp in sps]

        def emit_stores(s, vals):
            off = tbase + s * 16
            for k, (out_v, c) in enumerate(
                    ((o, c) for o in (out_t_v, out_r_v) for c in range(3))):
                out_v[pl.ds(off + c * 128, 16)] = vals[k]

        prev = None
        for s in range(8):
            vals = [plsc.load_gather(tab_v, [addrs[s] + o]) for o in offs]
            if prev is not None:
                emit_stores(s - 1, prev)
            prev = vals
        emit_stores(7, prev)
        return carry

    obase = base * 4
    h1 = 13 * 512
    h2 = _WSTAGE - h1
    lax.fori_loop(0, 13, tile_body, 0)
    c1 = pltpu.async_copy(out_t_v.at[pl.ds(0, h1)],
                          out_t.at[pl.ds(obase, h1)], sem)
    c2 = pltpu.async_copy(out_r_v.at[pl.ds(0, h1)],
                          out_r.at[pl.ds(obase, h1)], sem)
    lax.fori_loop(13, _TPW, tile_body, 0)
    c3 = pltpu.async_copy(out_t_v.at[pl.ds(h1, h2)],
                          out_t.at[pl.ds(obase + h1, h2)], sem)
    c4 = pltpu.async_copy(out_r_v.at[pl.ds(h1, h2)],
                          out_r.at[pl.ds(obase + h1, h2)], sem)
    c1.wait()
    c2.wait()
    c3.wait()
    c4.wait()


def _tilebytes(tab_t, tab_r):
    p = jnp.pad(jnp.concatenate([tab_t, tab_r], axis=0), ((0, 0), (0, 1)))
    return p.reshape(16, 128, 4).transpose(0, 2, 1).reshape(-1)


def _untile(flat):
    tiles = flat.reshape(_TILES, 4, _LANE)
    return tiles.transpose(0, 2, 1).reshape(_TILES * _LANE, 4)[:_N, :3]


def kernel(sp_delta_t, sp_delta_r, p2sp):
    mesh = plsc.VectorSubcoreMesh(core_axis_name="c", subcore_axis_name="s")
    run = pl.kernel(
        _gather_body,
        mesh=mesh,
        compiler_params=pltpu.CompilerParams(needs_layout_passes=False),
        out_type=(
            jax.ShapeDtypeStruct((_OUT_FLAT,), jnp.float32),
            jax.ShapeDtypeStruct((_OUT_FLAT,), jnp.float32),
        ),
        scratch_types=[
            pltpu.VMEM((_NUM_SP * 8,), jnp.float32),
            pltpu.VMEM((_CHUNK,), jnp.int32),
            pltpu.VMEM((_WSTAGE,), jnp.float32),
            pltpu.VMEM((_WSTAGE,), jnp.float32),
            pltpu.SemaphoreType.DMA,
        ],
    )
    flat_t, flat_r = run(_tilebytes(sp_delta_t, sp_delta_r), p2sp)
    return _untile(flat_t), _untile(flat_r)

# --- scband reference (transcript-rebuilt; emitter-appended) ---
"""Pipeline reference for scband-superpoint-model-74534862454823 (READ-ONLY COPY).

The authoritative reference and input builder live on the scoring server;
editing this copy changes nothing except your own understanding.
"""

import jax, jax.numpy as jnp
import numpy as np

NUM_POINTS = 100000
NUM_SP = 1024

def setup_inputs(seed: int = 0) -> dict:
    key = jax.random.key(seed)
    k1, k2, k3 = jax.random.split(key, 3)
    sp_delta_t = jax.random.normal(k1, (NUM_SP, 3), dtype=jnp.float32)
    sp_delta_r = jax.random.normal(k2, (NUM_SP, 3), dtype=jnp.float32)
    # p2sp buffer: point-to-superpoint assignment (result of 1-NN against sp_xyz)
    p2sp = jax.random.randint(k3, (NUM_POINTS,), 0, NUM_SP, dtype=jnp.int32)
    return {"sp_delta_t": sp_delta_t, "sp_delta_r": sp_delta_r, "p2sp": p2sp}

def reference(sp_delta_t, sp_delta_r, p2sp):
    # SuperpointModel.forward: gather per-superpoint deformation to every point
    point_delta_t = jnp.take(sp_delta_t, p2sp, axis=0)
    point_delta_r = jnp.take(sp_delta_r, p2sp, axis=0)
    return (point_delta_t, point_delta_r)

if __name__ == "__main__":
    import jax
    _d = setup_inputs()
    print(jax.jit(kernel)(*tuple(_d.values())))

</pallas_src>

<mosaic_0001>
#map = affine_map<(d0, d1) -> (0)>
module attributes {stable_mosaic.version = 14 : i64} {
  func.func @_gather_body(%arg0: i32, %arg1: i32, %arg2: memref<8192xf32, #tpu.memory_space<hbm>>, %arg3: memref<100000xi32, #tpu.memory_space<hbm>>, %arg4: memref<400384xf32, #tpu.memory_space<hbm>>, %arg5: memref<400384xf32, #tpu.memory_space<hbm>>, %arg6: memref<8192xf32, #tpu.memory_space<vmem>>, %arg7: memref<3200xi32, #tpu.memory_space<vmem>>, %arg8: memref<12800xf32, #tpu.memory_space<vmem>>, %arg9: memref<12800xf32, #tpu.memory_space<vmem>>, %arg10: memref<!tpu.dma_semaphore, #tpu.memory_space<semaphore_mem>>) attributes {dimension_semantics = [#tpu.dimension_semantics<core_parallel>, #tpu.dimension_semantics<subcore_parallel>], iteration_bounds = array<i64: 2, 16>, scalar_prefetch = 0 : i64, scratch_operands = 5 : i64, tpu.core_type = #tpu.core_type<sc_vector_subcore>, window_params = [{transform_indices = #map}, {transform_indices = #map}, {transform_indices = #map}, {transform_indices = #map}]} {
    %mul3A = arith.constant 2 : i32
    %mul3A_0 = arith.muli %arg1, %mul3A : i32
    %add3A = arith.addi %mul3A_0, %arg0 : i32
    %eq3A = arith.constant 31 : i32
    %eq3A_1 = arith.cmpi eq, %add3A, %eq3A : i32
    %mul3A_2 = arith.constant 3200 : i32
    %mul3A_3 = arith.muli %add3A, %mul3A_2 : i32
    %jit3A = arith.constant 96896 : i32
    %select_n3A = arith.select %eq3A_1, %jit3A, %mul3A_3 : i32
    tpu.enqueue_dma source(%arg2 : memref<8192xf32, #tpu.memory_space<hbm>>) target(%arg6 : memref<8192xf32, #tpu.memory_space<vmem>>) target_semaphore(%arg10 : memref<!tpu.dma_semaphore, #tpu.memory_space<semaphore_mem>>)
    %not3A = arith.constant true
    %not3A_4 = arith.xori %eq3A_1, %not3A : i1
    %convert_element_type3A = arith.extui %not3A_4 : i1 to i32
    %cond3A = arith.constant 0 : i32
    %cond3A_5 = arith.cmpi ne, %convert_element_type3A, %cond3A : i32
    scf.if %cond3A_5 {
      "tpu.region"() ({
        %run_scoped3A = tpu.sem_alloc : memref<!tpu.dma_semaphore, #tpu.memory_space<semaphore_mem>>
        %dma_start3A_72 = arith.constant 0 : i32
        %dma_start3A_73 = tpu.memref_slice %arg7[%dma_start3A_72] : memref<3200xi32, #tpu.memory_space<vmem>> -> memref<3200xi32, #tpu.memory_space<vmem>>
        %dma_start3A_74 = tpu.memref_slice %arg3[%select_n3A] : memref<100000xi32, #tpu.memory_space<hbm>> -> memref<3200xi32, #tpu.memory_space<hbm>>
        %dma_start3A_75 = arith.constant 0 : i32
        %dma_start3A_76 = tpu.memref_slice %arg7[%dma_start3A_75] : memref<3200xi32, #tpu.memory_space<vmem>> -> memref<3200xi32, #tpu.memory_space<vmem>>
        %dma_start3A_77 = tpu.memref_slice %arg3[%select_n3A] : memref<100000xi32, #tpu.memory_space<hbm>> -> memref<3200xi32, #tpu.memory_space<hbm>>
        tpu.enqueue_dma source(%dma_start3A_77 : memref<3200xi32, #tpu.memory_space<hbm>>) target(%dma_start3A_76 : memref<3200xi32, #tpu.memory_space<vmem>>) target_semaphore(%run_scoped3A : memref<!tpu.dma_semaphore, #tpu.memory_space<semaphore_mem>>)
        %dma_wait3A_78 = arith.constant 0 : i32
        %dma_wait3A_79 = tpu.memref_slice %arg7[%dma_wait3A_78] : memref<3200xi32, #tpu.memory_space<vmem>> -> memref<3200xi32, #tpu.memory_space<vmem>>
        %dma_wait3A_80 = tpu.memref_slice %arg3[%select_n3A] : memref<100000xi32, #tpu.memory_space<hbm>> -> memref<3200xi32, #tpu.memory_space<hbm>>
        %dma_wait3A_81 = arith.constant 0 : i32
        %dma_wait3A_82 = tpu.memref_slice %arg7[%dma_wait3A_81] : memref<3200xi32, #tpu.memory_space<vmem>> -> memref<3200xi32, #tpu.memory_space<vmem>>
        %dma_wait3A_83 = tpu.memref_slice %arg3[%select_n3A] : memref<100000xi32, #tpu.memory_space<hbm>> -> memref<3200xi32, #tpu.memory_space<hbm>>
        tpu.wait_dma2 semaphore(%run_scoped3A : memref<!tpu.dma_semaphore, #tpu.memory_space<semaphore_mem>>) src(%dma_wait3A_83 : memref<3200xi32, #tpu.memory_space<hbm>>) dst(%dma_wait3A_82 : memref<3200xi32, #tpu.memory_space<vmem>>)
        tpu.yield
      }) : () -> ()
    } else {
    }
    %convert_element_type3A_6 = arith.extui %eq3A_1 : i1 to i32
    %cond3A_7 = arith.constant 0 : i32
    %cond3A_8 = arith.cmpi ne, %convert_element_type3A_6, %cond3A_7 : i32
    scf.if %cond3A_8 {
      "tpu.region"() ({
        %run_scoped3A = tpu.sem_alloc : memref<!tpu.dma_semaphore, #tpu.memory_space<semaphore_mem>>
        %dma_start3A_84 = arith.constant 0 : i32
        %dma_start3A_85 = tpu.memref_slice %arg7[%dma_start3A_84] : memref<3200xi32, #tpu.memory_space<vmem>> -> memref<3104xi32, #tpu.memory_space<vmem>>
        %dma_start3A_86 = arith.constant 96896 : i32
        %dma_start3A_87 = tpu.memref_slice %arg3[%dma_start3A_86] : memref<100000xi32, #tpu.memory_space<hbm>> -> memref<3104xi32, #tpu.memory_space<hbm>>
        %dma_start3A_88 = arith.constant 0 : i32
        %dma_start3A_89 = tpu.memref_slice %arg7[%dma_start3A_88] : memref<3200xi32, #tpu.memory_space<vmem>> -> memref<3104xi32, #tpu.memory_space<vmem>>
        %dma_start3A_90 = arith.constant 96896 : i32
        %dma_start3A_91 = tpu.memref_slice %arg3[%dma_start3A_90] : memref<100000xi32, #tpu.memory_space<hbm>> -> memref<3104xi32, #tpu.memory_space<hbm>>
        tpu.enqueue_dma source(%dma_start3A_91 : memref<3104xi32, #tpu.memory_space<hbm>>) target(%dma_start3A_89 : memref<3104xi32, #tpu.memory_space<vmem>>) target_semaphore(%run_scoped3A : memref<!tpu.dma_semaphore, #tpu.memory_space<semaphore_mem>>)
        %dma_wait3A_92 = arith.constant 0 : i32
        %dma_wait3A_93 = tpu.memref_slice %arg7[%dma_wait3A_92] : memref<3200xi32, #tpu.memory_space<vmem>> -> memref<3104xi32, #tpu.memory_space<vmem>>
        %dma_wait3A_94 = arith.constant 96896 : i32
        %dma_wait3A_95 = tpu.memref_slice %arg3[%dma_wait3A_94] : memref<100000xi32, #tpu.memory_space<hbm>> -> memref<3104xi32, #tpu.memory_space<hbm>>
        %dma_wait3A_96 = arith.constant 0 : i32
        %dma_wait3A_97 = tpu.memref_slice %arg7[%dma_wait3A_96] : memref<3200xi32, #tpu.memory_space<vmem>> -> memref<3104xi32, #tpu.memory_space<vmem>>
        %dma_wait3A_98 = arith.constant 96896 : i32
        %dma_wait3A_99 = tpu.memref_slice %arg3[%dma_wait3A_98] : memref<100000xi32, #tpu.memory_space<hbm>> -> memref<3104xi32, #tpu.memory_space<hbm>>
        tpu.wait_dma2 semaphore(%run_scoped3A : memref<!tpu.dma_semaphore, #tpu.memory_space<semaphore_mem>>) src(%dma_wait3A_99 : memref<3104xi32, #tpu.memory_space<hbm>>) dst(%dma_wait3A_97 : memref<3104xi32, #tpu.memory_space<vmem>>)
        tpu.yield
      }) : () -> ()
      %broadcast_in_dim3A = arith.constant 0 : i32
      %broadcast_in_dim3A_72 = vector.broadcast %broadcast_in_dim3A : i32 to vector<16xi32>
      %swap3A = arith.constant 3104 : index
      %swap3A_73 = tpu.vector_load %arg7[%swap3A] {strides = array<i32>} : memref<3200xi32, #tpu.memory_space<vmem>>, vector<16xi32>,
      tpu.vector_store %arg7[%swap3A], %broadcast_in_dim3A_72 {strides = array<i32>} : memref<3200xi32, #tpu.memory_space<vmem>>, vector<16xi32>,
      %swap3A_74 = arith.constant 3120 : index
      %swap3A_75 = tpu.vector_load %arg7[%swap3A_74] {strides = array<i32>} : memref<3200xi32, #tpu.memory_space<vmem>>, vector<16xi32>,
      tpu.vector_store %arg7[%swap3A_74], %broadcast_in_dim3A_72 {strides = array<i32>} : memref<3200xi32, #tpu.memory_space<vmem>>, vector<16xi32>,
      %swap3A_76 = arith.constant 3136 : index
      %swap3A_77 = tpu.vector_load %arg7[%swap3A_76] {strides = array<i32>} : memref<3200xi32, #tpu.memory_space<vmem>>, vector<16xi32>,
      tpu.vector_store %arg7[%swap3A_76], %broadcast_in_dim3A_72 {strides = array<i32>} : memref<3200xi32, #tpu.memory_space<vmem>>, vector<16xi32>,
      %swap3A_78 = arith.constant 3152 : index
      %swap3A_79 = tpu.vector_load %arg7[%swap3A_78] {strides = array<i32>} : memref<3200xi32, #tpu.memory_space<vmem>>, vector<16xi32>,
      tpu.vector_store %arg7[%swap3A_78], %broadcast_in_dim3A_72 {strides = array<i32>} : memref<3200xi32, #tpu.memory_space<vmem>>, vector<16xi32>,
      %swap3A_80 = arith.constant 3168 : index
      %swap3A_81 = tpu.vector_load %arg7[%swap3A_80] {strides = array<i32>} : memref<3200xi32, #tpu.memory_space<vmem>>, vector<16xi32>,
      tpu.vector_store %arg7[%swap3A_80], %broadcast_in_dim3A_72 {strides = array<i32>} : memref<3200xi32, #tpu.memory_space<vmem>>, vector<16xi32>,
      %swap3A_82 = arith.constant 3184 : index
      %swap3A_83 = tpu.vector_load %arg7[%swap3A_82] {strides = array<i32>} : memref<3200xi32, #tpu.memory_space<vmem>>, vector<16xi32>,
      tpu.vector_store %arg7[%swap3A_82], %broadcast_in_dim3A_72 {strides = array<i32>} : memref<3200xi32, #tpu.memory_space<vmem>>, vector<16xi32>,
    } else {
    }
    tpu.wait_dma2 semaphore(%arg10 : memref<!tpu.dma_semaphore, #tpu.memory_space<semaphore_mem>>) src(%arg2 : memref<8192xf32, #tpu.memory_space<hbm>>) dst(%arg6 : memref<8192xf32, #tpu.memory_space<vmem>>)
    %mul3A_9 = arith.constant 4 : i32
    %mul3A_10 = arith.muli %select_n3A, %mul3A_9 : i32
    %scan3A = arith.constant 0 : i32
    %scan3A_11 = arith.constant 0 : i32
    %scan3A_12 = arith.constant 13 : i32
    %scan3A_13 = arith.addi %scan3A_11, %scan3A_12 : i32
    %scan3A_14 = arith.constant 1 : i32
    scf.for %scan3A_72 = %scan3A_11 to %scan3A_13 step %scan3A_14  : i32 {
      %mul3A_73 = arith.constant 512 : i32
      %mul3A_74 = arith.muli %scan3A_72, %mul3A_73 : i32
      %mul3A_75 = arith.constant 128 : i32
      %mul3A_76 = arith.muli %scan3A_72, %mul3A_75 : i32
      %add3A_77 = arith.constant 0 : i32
      %add3A_78 = arith.addi %mul3A_76, %add3A_77 : i32
      %get3A = arith.index_cast %add3A_78 : i32 to index
      %get3A_79 = tpu.vector_load %arg7[%get3A] {strides = array<i32>} : memref<3200xi32, #tpu.memory_space<vmem>>, vector<16xi32>,
      %add3A_80 = arith.constant 16 : i32
      %add3A_81 = arith.addi %mul3A_76, %add3A_80 : i32
      %get3A_82 = arith.index_cast %add3A_81 : i32 to index
      %get3A_83 = tpu.vector_load %arg7[%get3A_82] {strides = array<i32>} : memref<3200xi32, #tpu.memory_space<vmem>>, vector<16xi32>,
      %add3A_84 = arith.constant 32 : i32
      %add3A_85 = arith.addi %mul3A_76, %add3A_84 : i32
      %get3A_86 = arith.index_cast %add3A_85 : i32 to index
      %get3A_87 = tpu.vector_load %arg7[%get3A_86] {strides = array<i32>} : memref<3200xi32, #tpu.memory_space<vmem>>, vector<16xi32>,
      %add3A_88 = arith.constant 48 : i32
      %add3A_89 = arith.addi %mul3A_76, %add3A_88 : i32
      %get3A_90 = arith.index_cast %add3A_89 : i32 to index
      %get3A_91 = tpu.vector_load %arg7[%get3A_90] {strides = array<i32>} : memref<3200xi32, #tpu.memory_space<vmem>>, vector<16xi32>,
      %add3A_92 = arith.constant 64 : i32
      %add3A_93 = arith.addi %mul3A_76, %add3A_92 : i32
      %get3A_94 = arith.index_cast %add3A_93 : i32 to index
      %get3A_95 = tpu.vector_load %arg7[%get3A_94] {strides = array<i32>} : memref<3200xi32, #tpu.memory_space<vmem>>, vector<16xi32>,
      %add3A_96 = arith.constant 80 : i32
      %add3A_97 = arith.addi %mul3A_76, %add3A_96 : i32
      %get3A_98 = arith.index_cast %add3A_97 : i32 to index
      %get3A_99 = tpu.vector_load %arg7[%get3A_98] {strides = array<i32>} : memref<3200xi32, #tpu.memory_space<vmem>>, vector<16xi32>,
      %add3A_100 = arith.constant 96 : i32
      %add3A_101 = arith.addi %mul3A_76, %add3A_100 : i32
      %get3A_102 = arith.index_cast %add3A_101 : i32 to index
      %get3A_103 = tpu.vector_load %arg7[%get3A_102] {strides = array<i32>} : memref<3200xi32, #tpu.memory_space<vmem>>, vector<16xi32>,
      %add3A_104 = arith.constant 112 : i32
      %add3A_105 = arith.addi %mul3A_76, %add3A_104 : i32
      %get3A_106 = arith.index_cast %add3A_105 : i32 to index
      %get3A_107 = tpu.vector_load %arg7[%get3A_106] {strides = array<i32>} : memref<3200xi32, #tpu.memory_space<vmem>>, vector<16xi32>,
      %shift_right_arithmetic3A = arith.constant 7 : i32
      %shift_right_arithmetic3A_108 = vector.broadcast %shift_right_arithmetic3A : i32 to vector<16xi32>
      %shift_right_arithmetic3A_109 = arith.shrsi %get3A_79, %shift_right_arithmetic3A_108 : vector<16xi32>
      %mul3A_110 = arith.constant 384 : i32
      %mul3A_111 = vector.broadcast %mul3A_110 : i32 to vector<16xi32>
      %mul3A_112 = arith.muli %shift_right_arithmetic3A_109, %mul3A_111 : vector<16xi32>
      %add3A_113 = arith.addi %get3A_79, %mul3A_112 : vector<16xi32>
      %shift_right_arithmetic3A_114 = arith.constant 7 : i32
      %shift_right_arithmetic3A_115 = vector.broadcast %shift_right_arithmetic3A_114 : i32 to vector<16xi32>
      %shift_right_arithmetic3A_116 = arith.shrsi %get3A_83, %shift_right_arithmetic3A_115 : vector<16xi32>
      %mul3A_117 = arith.constant 384 : i32
      %mul3A_118 = vector.broadcast %mul3A_117 : i32 to vector<16xi32>
      %mul3A_119 = arith.muli %shift_right_arithmetic3A_116, %mul3A_118 : vector<16xi32>
      %add3A_120 = arith.addi %get3A_83, %mul3A_119 : vector<16xi32>
      %shift_right_arithmetic3A_121 = arith.constant 7 : i32
      %shift_right_arithmetic3A_122 = vector.broadcast %shift_right_arithmetic3A_121 : i32 to vector<16xi32>
      %shift_right_arithmetic3A_123 = arith.shrsi %get3A_87, %shift_right_arithmetic3A_122 : vector<16xi32>
      %mul3A_124 = arith.constant 384 : i32
      %mul3A_125 = vector.broadcast %mul3A_124 : i32 to vector<16xi32>
      %mul3A_126 = arith.muli %shift_right_arithmetic3A_123, %mul3A_125 : vector<16xi32>
      %add3A_127 = arith.addi %get3A_87, %mul3A_126 : vector<16xi32>
      %shift_right_arithmetic3A_128 = arith.constant 7 : i32
      %shift_right_arithmetic3A_129 = vector.broadcast %shift_right_arithmetic3A_128 : i32 to vector<16xi32>
      %shift_right_arithmetic3A_130 = arith.shrsi %get3A_91, %shift_right_arithmetic3A_129 : vector<16xi32>
      %mul3A_131 = arith.constant 384 : i32
      %mul3A_132 = vector.broadcast %mul3A_131 : i32 to vector<16xi32>
      %mul3A_133 = arith.muli %shift_right_arithmetic3A_130, %mul3A_132 : vector<16xi32>
      %add3A_134 = arith.addi %get3A_91, %mul3A_133 : vector<16xi32>
      %shift_right_arithmetic3A_135 = arith.constant 7 : i32
      %shift_right_arithmetic3A_136 = vector.broadcast %shift_right_arithmetic3A_135 : i32 to vector<16xi32>
      %shift_right_arithmetic3A_137 = arith.shrsi %get3A_95, %shift_right_arithmetic3A_136 : vector<16xi32>
      %mul3A_138 = arith.constant 384 : i32
      %mul3A_139 = vector.broadcast %mul3A_138 : i32 to vector<16xi32>
      %mul3A_140 = arith.muli %shift_right_arithmetic3A_137, %mul3A_139 : vector<16xi32>
      %add3A_141 = arith.addi %get3A_95, %mul3A_140 : vector<16xi32>
      %shift_right_arithmetic3A_142 = arith.constant 7 : i32
      %shift_right_arithmetic3A_143 = vector.broadcast %shift_right_arithmetic3A_142 : i32 to vector<16xi32>
      %shift_right_arithmetic3A_144 = arith.shrsi %get3A_99, %shift_right_arithmetic3A_143 : vector<16xi32>
      %mul3A_145 = arith.constant 384 : i32
      %mul3A_146 = vector.broadcast %mul3A_145 : i32 to vector<16xi32>
      %mul3A_147 = arith.muli %shift_right_arithmetic3A_144, %mul3A_146 : vector<16xi32>
      %add3A_148 = arith.addi %get3A_99, %mul3A_147 : vector<16xi32>
      %shift_right_arithmetic3A_149 = arith.constant 7 : i32
      %shift_right_arithmetic3A_150 = vector.broadcast %shift_right_arithmetic3A_149 : i32 to vector<16xi32>
      %shift_right_arithmetic3A_151 = arith.shrsi %get3A_103, %shift_right_arithmetic3A_150 : vector<16xi32>
      %mul3A_152 = arith.constant 384 : i32
      %mul3A_153 = vector.broadcast %mul3A_152 : i32 to vector<16xi32>
      %mul3A_154 = arith.muli %shift_right_arithmetic3A_151, %mul3A_153 : vector<16xi32>
      %add3A_155 = arith.addi %get3A_103, %mul3A_154 : vector<16xi32>
      %shift_right_arithmetic3A_156 = arith.constant 7 : i32
      %shift_right_arithmetic3A_157 = vector.broadcast %shift_right_arithmetic3A_156 : i32 to vector<16xi32>
      %shift_right_arithmetic3A_158 = arith.shrsi %get3A_107, %shift_right_arithmetic3A_157 : vector<16xi32>
      %mul3A_159 = arith.constant 384 : i32
      %mul3A_160 = vector.broadcast %mul3A_159 : i32 to vector<16xi32>
      %mul3A_161 = arith.muli %shift_right_arithmetic3A_158, %mul3A_160 : vector<16xi32>
      %add3A_162 = arith.addi %get3A_107, %mul3A_161 : vector<16xi32>
      %add3A_163 = arith.constant 0 : i32
      %add3A_164 = vector.broadcast %add3A_163 : i32 to vector<16xi32>
      %add3A_165 = arith.addi %add3A_113, %add3A_164 : vector<16xi32>
      %gather3A = tpu.vector_load_idx %arg6[%add3A_165] : memref<8192xf32, #tpu.memory_space<vmem>>[vector<16xi32>], vector<16xf32>,
      %add3A_166 = arith.constant 128 : i32
      %add3A_167 = vector.broadcast %add3A_166 : i32 to vector<16xi32>
      %add3A_168 = arith.addi %add3A_113, %add3A_167 : vector<16xi32>
      %gather3A_169 = tpu.vector_load_idx %arg6[%add3A_168] : memref<8192xf32, #tpu.memory_space<vmem>>[vector<16xi32>], vector<16xf32>,
      %add3A_170 = arith.constant 256 : i32
      %add3A_171 = vector.broadcast %add3A_170 : i32 to vector<16xi32>
      %add3A_172 = arith.addi %add3A_113, %add3A_171 : vector<16xi32>
      %gather3A_173 = tpu.vector_load_idx %arg6[%add3A_172] : memref<8192xf32, #tpu.memory_space<vmem>>[vector<16xi32>], vector<16xf32>,
      %add3A_174 = arith.constant 4096 : i32
      %add3A_175 = vector.broadcast %add3A_174 : i32 to vector<16xi32>
      %add3A_176 = arith.addi %add3A_113, %add3A_175 : vector<16xi32>
      %gather3A_177 = tpu.vector_load_idx %arg6[%add3A_176] : memref<8192xf32, #tpu.memory_space<vmem>>[vector<16xi32>], vector<16xf32>,
      %add3A_178 = arith.constant 4224 : i32
      %add3A_179 = vector.broadcast %add3A_178 : i32 to vector<16xi32>
      %add3A_180 = arith.addi %add3A_113, %add3A_179 : vector<16xi32>
      %gather3A_181 = tpu.vector_load_idx %arg6[%add3A_180] : memref<8192xf32, #tpu.memory_space<vmem>>[vector<16xi32>], vector<16xf32>,
      %add3A_182 = arith.constant 4352 : i32
      %add3A_183 = vector.broadcast %add3A_182 : i32 to vector<16xi32>
      %add3A_184 = arith.addi %add3A_113, %add3A_183 : vector<16xi32>
      %gather3A_185 = tpu.vector_load_idx %arg6[%add3A_184] : memref<8192xf32, #tpu.memory_space<vmem>>[vector<16xi32>], vector<16xf32>,
      %add3A_186 = arith.constant 0 : i32
      %add3A_187 = vector.broadcast %add3A_186 : i32 to vector<16xi32>
      %add3A_188 = arith.addi %add3A_120, %add3A_187 : vector<16xi32>
      %gather3A_189 = tpu.vector_load_idx %arg6[%add3A_188] : memref<8192xf32, #tpu.memory_space<vmem>>[vector<16xi32>], vector<16xf32>,
      %add3A_190 = arith.constant 128 : i32
      %add3A_191 = vector.broadcast %add3A_190 : i32 to vector<16xi32>
      %add3A_192 = arith.addi %add3A_120, %add3A_191 : vector<16xi32>
      %gather3A_193 = tpu.vector_load_idx %arg6[%add3A_192] : memref<8192xf32, #tpu.memory_space<vmem>>[vector<16xi32>], vector<16xf32>,
      %add3A_194 = arith.constant 256 : i32
      %add3A_195 = vector.broadcast %add3A_194 : i32 to vector<16xi32>
      %add3A_196 = arith.addi %add3A_120, %add3A_195 : vector<16xi32>
      %gather3A_197 = tpu.vector_load_idx %arg6[%add3A_196] : memref<8192xf32, #tpu.memory_space<vmem>>[vector<16xi32>], vector<16xf32>,
      %add3A_198 = arith.constant 4096 : i32
      %add3A_199 = vector.broadcast %add3A_198 : i32 to vector<16xi32>
      %add3A_200 = arith.addi %add3A_120, %add3A_199 : vector<16xi32>
      %gather3A_201 = tpu.vector_load_idx %arg6[%add3A_200] : memref<8192xf32, #tpu.memory_space<vmem>>[vector<16xi32>], vector<16xf32>,
      %add3A_202 = arith.constant 4224 : i32
      %add3A_203 = vector.broadcast %add3A_202 : i32 to vector<16xi32>
      %add3A_204 = arith.addi %add3A_120, %add3A_203 : vector<16xi32>
      %gather3A_205 = tpu.vector_load_idx %arg6[%add3A_204] : memref<8192xf32, #tpu.memory_space<vmem>>[vector<16xi32>], vector<16xf32>,
      %add3A_206 = arith.constant 4352 : i32
      %add3A_207 = vector.broadcast %add3A_206 : i32 to vector<16xi32>
      %add3A_208 = arith.addi %add3A_120, %add3A_207 : vector<16xi32>
      %gather3A_209 = tpu.vector_load_idx %arg6[%add3A_208] : memref<8192xf32, #tpu.memory_space<vmem>>[vector<16xi32>], vector<16xf32>,
      %add3A_210 = arith.constant 0 : i32
      %add3A_211 = arith.addi %mul3A_74, %add3A_210 : i32
      %add3A_212 = arith.constant 0 : i32
      %add3A_213 = arith.addi %add3A_211, %add3A_212 : i32
      %swap3A = arith.index_cast %add3A_213 : i32 to index
      %swap3A_214 = tpu.vector_load %arg8[%swap3A] {strides = array<i32>} : memref<12800xf32, #tpu.memory_space<vmem>>, vector<16xf32>,
      tpu.vector_store %arg8[%swap3A], %gather3A {strides = array<i32>} : memref<12800xf32, #tpu.memory_space<vmem>>, vector<16xf32>,
      %add3A_215 = arith.constant 128 : i32
      %add3A_216 = arith.addi %add3A_211, %add3A_215 : i32
      %swap3A_217 = arith.index_cast %add3A_216 : i32 to index
      %swap3A_218 = tpu.vector_load %arg8[%swap3A_217] {strides = array<i32>} : memref<12800xf32, #tpu.memory_space<vmem>>, vector<16xf32>,
      tpu.vector_store %arg8[%swap3A_217], %gather3A_169 {strides = array<i32>} : memref<12800xf32, #tpu.memory_space<vmem>>, vector<16xf32>,
      %add3A_219 = arith.constant 256 : i32
      %add3A_220 = arith.addi %add3A_211, %add3A_219 : i32
      %swap3A_221 = arith.index_cast %add3A_220 : i32 to index
      %swap3A_222 = tpu.vector_load %arg8[%swap3A_221] {strides = array<i32>} : memref<12800xf32, #tpu.memory_space<vmem>>, vector<16xf32>,
      tpu.vector_store %arg8[%swap3A_221], %gather3A_173 {strides = array<i32>} : memref<12800xf32, #tpu.memory_space<vmem>>, vector<16xf32>,
      %add3A_223 = arith.constant 0 : i32
      %add3A_224 = arith.addi %add3A_211, %add3A_223 : i32
      %swap3A_225 = arith.index_cast %add3A_224 : i32 to index
      %swap3A_226 = tpu.vector_load %arg9[%swap3A_225] {strides = array<i32>} : memref<12800xf32, #tpu.memory_space<vmem>>, vector<16xf32>,
      tpu.vector_store %arg9[%swap3A_225], %gather3A_177 {strides = array<i32>} : memref<12800xf32, #tpu.memory_space<vmem>>, vector<16xf32>,
      %add3A_227 = arith.constant 128 : i32
      %add3A_228 = arith.addi %add3A_211, %add3A_227 : i32
      %swap3A_229 = arith.index_cast %add3A_228 : i32 to index
      %swap3A_230 = tpu.vector_load %arg9[%swap3A_229] {strides = array<i32>} : memref<12800xf32, #tpu.memory_space<vmem>>, vector<16xf32>,
      tpu.vector_store %arg9[%swap3A_229], %gather3A_181 {strides = array<i32>} : memref<12800xf32, #tpu.memory_space<vmem>>, vector<16xf32>,
      %add3A_231 = arith.constant 256 : i32
      %add3A_232 = arith.addi %add3A_211, %add3A_231 : i32
      %swap3A_233 = arith.index_cast %add3A_232 : i32 to index
      %swap3A_234 = tpu.vector_load %arg9[%swap3A_233] {strides = array<i32>} : memref<12800xf32, #tpu.memory_space<vmem>>, vector<16xf32>,
      tpu.vector_store %arg9[%swap3A_233], %gather3A_185 {strides = array<i32>} : memref<12800xf32, #tpu.memory_space<vmem>>, vector<16xf32>,
      %add3A_235 = arith.constant 0 : i32
      %add3A_236 = vector.broadcast %add3A_235 : i32 to vector<16xi32>
      %add3A_237 = arith.addi %add3A_127, %add3A_236 : vector<16xi32>
      %gather3A_238 = tpu.vector_load_idx %arg6[%add3A_237] : memref<8192xf32, #tpu.memory_space<vmem>>[vector<16xi32>], vector<16xf32>,
      %add3A_239 = arith.constant 128 : i32
      %add3A_240 = vector.broadcast %add3A_239 : i32 to vector<16xi32>
      %add3A_241 = arith.addi %add3A_127, %add3A_240 : vector<16xi32>
      %gather3A_242 = tpu.vector_load_idx %arg6[%add3A_241] : memref<8192xf32, #tpu.memory_space<vmem>>[vector<16xi32>], vector<16xf32>,
      %add3A_243 = arith.constant 256 : i32
      %add3A_244 = vector.broadcast %add3A_243 : i32 to vector<16xi32>
      %add3A_245 = arith.addi %add3A_127, %add3A_244 : vector<16xi32>
      %gather3A_246 = tpu.vector_load_idx %arg6[%add3A_245] : memref<8192xf32, #tpu.memory_space<vmem>>[vector<16xi32>], vector<16xf32>,
      %add3A_247 = arith.constant 4096 : i32
      %add3A_248 = vector.broadcast %add3A_247 : i32 to vector<16xi32>
      %add3A_249 = arith.addi %add3A_127, %add3A_248 : vector<16xi32>
      %gather3A_250 = tpu.vector_load_idx %arg6[%add3A_249] : memref<8192xf32, #tpu.memory_space<vmem>>[vector<16xi32>], vector<16xf32>,
      %add3A_251 = arith.constant 4224 : i32
      %add3A_252 = vector.broadcast %add3A_251 : i32 to vector<16xi32>
      %add3A_253 = arith.addi %add3A_127, %add3A_252 : vector<16xi32>
      %gather3A_254 = tpu.vector_load_idx %arg6[%add3A_253] : memref<8192xf32, #tpu.memory_space<vmem>>[vector<16xi32>], vector<16xf32>,
      %add3A_255 = arith.constant 4352 : i32
      %add3A_256 = vector.broadcast %add3A_255 : i32 to vector<16xi32>
      %add3A_257 = arith.addi %add3A_127, %add3A_256 : vector<16xi32>
      %gather3A_258 = tpu.vector_load_idx %arg6[%add3A_257] : memref<8192xf32, #tpu.memory_space<vmem>>[vector<16xi32>], vector<16xf32>,
      %add3A_259 = arith.constant 16 : i32
      %add3A_260 = arith.addi %mul3A_74, %add3A_259 : i32
      %add3A_261 = arith.constant 0 : i32
      %add3A_262 = arith.addi %add3A_260, %add3A_261 : i32
      %swap3A_263 = arith.index_cast %add3A_262 : i32 to index
      %swap3A_264 = tpu.vector_load %arg8[%swap3A_263] {strides = array<i32>} : memref<12800xf32, #tpu.memory_space<vmem>>, vector<16xf32>,
      tpu.vector_store %arg8[%swap3A_263], %gather3A_189 {strides = array<i32>} : memref<12800xf32, #tpu.memory_space<vmem>>, vector<16xf32>,
      %add3A_265 = arith.constant 128 : i32
      %add3A_266 = arith.addi %add3A_260, %add3A_265 : i32
      %swap3A_267 = arith.index_cast %add3A_266 : i32 to index
      %swap3A_268 = tpu.vector_load %arg8[%swap3A_267] {strides = array<i32>} : memref<12800xf32, #tpu.memory_space<vmem>>, vector<16xf32>,
      tpu.vector_store %arg8[%swap3A_267], %gather3A_193 {strides = array<i32>} : memref<12800xf32, #tpu.memory_space<vmem>>, vector<16xf32>,
      %add3A_269 = arith.constant 256 : i32
      %add3A_270 = arith.addi %add3A_260, %add3A_269 : i32
      %swap3A_271 = arith.index_cast %add3A_270 : i32 to index
      %swap3A_272 = tpu.vector_load %arg8[%swap3A_271] {strides = array<i32>} : memref<12800xf32, #tpu.memory_space<vmem>>, vector<16xf32>,
      tpu.vector_store %arg8[%swap3A_271], %gather3A_197 {strides = array<i32>} : memref<12800xf32, #tpu.memory_space<vmem>>, vector<16xf32>,
      %add3A_273 = arith.constant 0 : i32
      %add3A_274 = arith.addi %add3A_260, %add3A_273 : i32
      %swap3A_275 = arith.index_cast %add3A_274 : i32 to index
      %swap3A_276 = tpu.vector_load %arg9[%swap3A_275] {strides = array<i32>} : memref<12800xf32, #tpu.memory_space<vmem>>, vector<16xf32>,
      tpu.vector_store %arg9[%swap3A_275], %gather3A_201 {strides = array<i32>} : memref<12800xf32, #tpu.memory_space<vmem>>, vector<16xf32>,
      %add3A_277 = arith.constant 128 : i32
      %add3A_278 = arith.addi %add3A_260, %add3A_277 : i32
      %swap3A_279 = arith.index_cast %add3A_278 : i32 to index
      %swap3A_280 = tpu.vector_load %arg9[%swap3A_279] {strides = array<i32>} : memref<12800xf32, #tpu.memory_space<vmem>>, vector<16xf32>,
      tpu.vector_store %arg9[%swap3A_279], %gather3A_205 {strides = array<i32>} : memref<12800xf32, #tpu.memory_space<vmem>>, vector<16xf32>,
      %add3A_281 = arith.constant 256 : i32
      %add3A_282 = arith.addi %add3A_260, %add3A_281 : i32
      %swap3A_283 = arith.index_cast %add3A_282 : i32 to index
      %swap3A_284 = tpu.vector_load %arg9[%swap3A_283] {strides = array<i32>} : memref<12800xf32, #tpu.memory_space<vmem>>, vector<16xf32>,
      tpu.vector_store %arg9[%swap3A_283], %gather3A_209 {strides = array<i32>} : memref<12800xf32, #tpu.memory_space<vmem>>, vector<16xf32>,
      %add3A_285 = arith.constant 0 : i32
      %add3A_286 = vector.broadcast %add3A_285 : i32 to vector<16xi32>
      %add3A_287 = arith.addi %add3A_134, %add3A_286 : vector<16xi32>
      %gather3A_288 = tpu.vector_load_idx %arg6[%add3A_287] : memref<8192xf32, #tpu.memory_space<vmem>>[vector<16xi32>], vector<16xf32>,
      %add3A_289 = arith.constant 128 : i32
      %add3A_290 = vector.broadcast %add3A_289 : i32 to vector<16xi32>
      %add3A_291 = arith.addi %add3A_134, %add3A_290 : vector<16xi32>
      %gather3A_292 = tpu.vector_load_idx %arg6[%add3A_291] : memref<8192xf32, #tpu.memory_space<vmem>>[vector<16xi32>], vector<16xf32>,
      %add3A_293 = arith.constant 256 : i32
      %add3A_294 = vector.broadcast %add3A_293 : i32 to vector<16xi32>
      %add3A_295 = arith.addi %add3A_134, %add3A_294 : vector<16xi32>
      %gather3A_296 = tpu.vector_load_idx %arg6[%add3A_295] : memref<8192xf32, #tpu.memory_space<vmem>>[vector<16xi32>], vector<16xf32>,
      %add3A_297 = arith.constant 4096 : i32
      %add3A_298 = vector.broadcast %add3A_297 : i32 to vector<16xi32>
      %add3A_299 = arith.addi %add3A_134, %add3A_298 : vector<16xi32>
      %gather3A_300 = tpu.vector_load_idx %arg6[%add3A_299] : memref<8192xf32, #tpu.memory_space<vmem>>[vector<16xi32>], vector<16xf32>,
      %add3A_301 = arith.constant 4224 : i32
      %add3A_302 = vector.broadcast %add3A_301 : i32 to vector<16xi32>
      %add3A_303 = arith.addi %add3A_134, %add3A_302 : vector<16xi32>
      %gather3A_304 = tpu.vector_load_idx %arg6[%add3A_303] : memref<8192xf32, #tpu.memory_space<vmem>>[vector<16xi32>], vector<16xf32>,
      %add3A_305 = arith.constant 4352 : i32
      %add3A_306 = vector.broadcast %add3A_305 : i32 to vector<16xi32>
      %add3A_307 = arith.addi %add3A_134, %add3A_306 : vector<16xi32>
      %gather3A_308 = tpu.vector_load_idx %arg6[%add3A_307] : memref<8192xf32, #tpu.memory_space<vmem>>[vector<16xi32>], vector<16xf32>,
      %add3A_309 = arith.constant 32 : i32
      %add3A_310 = arith.addi %mul3A_74, %add3A_309 : i32
      %add3A_311 = arith.constant 0 : i32
      %add3A_312 = arith.addi %add3A_310, %add3A_311 : i32
      %swap3A_313 = arith.index_cast %add3A_312 : i32 to index
      %swap3A_314 = tpu.vector_load %arg8[%swap3A_313] {strides = array<i32>} : memref<12800xf32, #tpu.memory_space<vmem>>, vector<16xf32>,
      tpu.vector_store %arg8[%swap3A_313], %gather3A_238 {strides = array<i32>} : memref<12800xf32, #tpu.memory_space<vmem>>, vector<16xf32>,
      %add3A_315 = arith.constant 128 : i32
      %add3A_316 = arith.addi %add3A_310, %add3A_315 : i32
      %swap3A_317 = arith.index_cast %add3A_316 : i32 to index
      %swap3A_318 = tpu.vector_load %arg8[%swap3A_317] {strides = array<i32>} : memref<12800xf32, #tpu.memory_space<vmem>>, vector<16xf32>,
      tpu.vector_store %arg8[%swap3A_317], %gather3A_242 {strides = array<i32>} : memref<12800xf32, #tpu.memory_space<vmem>>, vector<16xf32>,
      %add3A_319 = arith.constant 256 : i32
      %add3A_320 = arith.addi %add3A_310, %add3A_319 : i32
      %swap3A_321 = arith.index_cast %add3A_320 : i32 to index
      %swap3A_322 = tpu.vector_load %arg8[%swap3A_321] {strides = array<i32>} : memref<12800xf32, #tpu.memory_space<vmem>>, vector<16xf32>,
      tpu.vector_store %arg8[%swap3A_321], %gather3A_246 {strides = array<i32>} : memref<12800xf32, #tpu.memory_space<vmem>>, vector<16xf32>,
      %add3A_323 = arith.constant 0 : i32
      %add3A_324 = arith.addi %add3A_310, %add3A_323 : i32
      %swap3A_325 = arith.index_cast %add3A_324 : i32 to index
      %swap3A_326 = tpu.vector_load %arg9[%swap3A_325] {strides = array<i32>} : memref<12800xf32, #tpu.memory_space<vmem>>, vector<16xf32>,
      tpu.vector_store %arg9[%swap3A_325], %gather3A_250 {strides = array<i32>} : memref<12800xf32, #tpu.memory_space<vmem>>, vector<16xf32>,
      %add3A_327 = arith.constant 128 : i32
      %add3A_328 = arith.addi %add3A_310, %add3A_327 : i32
      %swap3A_329 = arith.index_cast %add3A_328 : i32 to index
      %swap3A_330 = tpu.vector_load %arg9[%swap3A_329] {strides = array<i32>} : memref<12800xf32, #tpu.memory_space<vmem>>, vector<16xf32>,
      tpu.vector_store %arg9[%swap3A_329], %gather3A_254 {strides = array<i32>} : memref<12800xf32, #tpu.memory_space<vmem>>, vector<16xf32>,
      %add3A_331 = arith.constant 256 : i32
      %add3A_332 = arith.addi %add3A_310, %add3A_331 : i32
      %swap3A_333 = arith.index_cast %add3A_332 : i32 to index
      %swap3A_334 = tpu.vector_load %arg9[%swap3A_333] {strides = array<i32>} : memref<12800xf32, #tpu.memory_space<vmem>>, vector<16xf32>,
      tpu.vector_store %arg9[%swap3A_333], %gather3A_258 {strides = array<i32>} : memref<12800xf32, #tpu.memory_space<vmem>>, vector<16xf32>,
      %add3A_335 = arith.constant 0 : i32
      %add3A_336 = vector.broadcast %add3A_335 : i32 to vector<16xi32>
      %add3A_337 = arith.addi %add3A_141, %add3A_336 : vector<16xi32>
      %gather3A_338 = tpu.vector_load_idx %arg6[%add3A_337] : memref<8192xf32, #tpu.memory_space<vmem>>[vector<16xi32>], vector<16xf32>,
      %add3A_339 = arith.constant 128 : i32
      %add3A_340 = vector.broadcast %add3A_339 : i32 to vector<16xi32>
      %add3A_341 = arith.addi %add3A_141, %add3A_340 : vector<16xi32>
      %gather3A_342 = tpu.vector_load_idx %arg6[%add3A_341] : memref<8192xf32, #tpu.memory_space<vmem>>[vector<16xi32>], vector<16xf32>,
      %add3A_343 = arith.constant 256 : i32
      %add3A_344 = vector.broadcast %add3A_343 : i32 to vector<16xi32>
      %add3A_345 = arith.addi %add3A_141, %add3A_344 : vector<16xi32>
      %gather3A_346 = tpu.vector_load_idx %arg6[%add3A_345] : memref<8192xf32, #tpu.memory_space<vmem>>[vector<16xi32>], vector<16xf32>,
      %add3A_347 = arith.constant 4096 : i32
      %add3A_348 = vector.broadcast %add3A_347 : i32 to vector<16xi32>
      %add3A_349 = arith.addi %add3A_141, %add3A_348 : vector<16xi32>
      %gather3A_350 = tpu.vector_load_idx %arg6[%add3A_349] : memref<8192xf32, #tpu.memory_space<vmem>>[vector<16xi32>], vector<16xf32>,
      %add3A_351 = arith.constant 4224 : i32
      %add3A_352 = vector.broadcast %add3A_351 : i32 to vector<16xi32>
      %add3A_353 = arith.addi %add3A_141, %add3A_352 : vector<16xi32>
      %gather3A_354 = tpu.vector_load_idx %arg6[%add3A_353] : memref<8192xf32, #tpu.memory_space<vmem>>[vector<16xi32>], vector<16xf32>,
      %add3A_355 = arith.constant 4352 : i32
      %add3A_356 = vector.broadcast %add3A_355 : i32 to vector<16xi32>
      %add3A_357 = arith.addi %add3A_141, %add3A_356 : vector<16xi32>
      %gather3A_358 = tpu.vector_load_idx %arg6[%add3A_357] : memref<8192xf32, #tpu.memory_space<vmem>>[vector<16xi32>], vector<16xf32>,
      %add3A_359 = arith.constant 48 : i32
      %add3A_360 = arith.addi %mul3A_74, %add3A_359 : i32
      %add3A_361 = arith.constant 0 : i32
      %add3A_362 = arith.addi %add3A_360, %add3A_361 : i32
      %swap3A_363 = arith.index_cast %add3A_362 : i32 to index
      %swap3A_364 = tpu.vector_load %arg8[%swap3A_363] {strides = array<i32>} : memref<12800xf32, #tpu.memory_space<vmem>>, vector<16xf32>,
      tpu.vector_store %arg8[%swap3A_363], %gather3A_288 {strides = array<i32>} : memref<12800xf32, #tpu.memory_space<vmem>>, vector<16xf32>,
      %add3A_365 = arith.constant 128 : i32
      %add3A_366 = arith.addi %add3A_360, %add3A_365 : i32
      %swap3A_367 = arith.index_cast %add3A_366 : i32 to index
      %swap3A_368 = tpu.vector_load %arg8[%swap3A_367] {strides = array<i32>} : memref<12800xf32, #tpu.memory_space<vmem>>, vector<16xf32>,
      tpu.vector_store %arg8[%swap3A_367], %gather3A_292 {strides = array<i32>} : memref<12800xf32, #tpu.memory_space<vmem>>, vector<16xf32>,
      %add3A_369 = arith.constant 256 : i32
      %add3A_370 = arith.addi %add3A_360, %add3A_369 : i32
      %swap3A_371 = arith.index_cast %add3A_370 : i32 to index
      %swap3A_372 = tpu.vector_load %arg8[%swap3A_371] {strides = array<i32>} : memref<12800xf32, #tpu.memory_space<vmem>>, vector<16xf32>,
      tpu.vector_store %arg8[%swap3A_371], %gather3A_296 {strides = array<i32>} : memref<12800xf32, #tpu.memory_space<vmem>>, vector<16xf32>,
      %add3A_373 = arith.constant 0 : i32
      %add3A_374 = arith.addi %add3A_360, %add3A_373 : i32
      %swap3A_375 = arith.index_cast %add3A_374 : i32 to index
      %swap3A_376 = tpu.vector_load %arg9[%swap3A_375] {strides = array<i32>} : memref<12800xf32, #tpu.memory_space<vmem>>, vector<16xf32>,
      tpu.vector_store %arg9[%swap3A_375], %gather3A_300 {strides = array<i32>} : memref<12800xf32, #tpu.memory_space<vmem>>, vector<16xf32>,
      %add3A_377 = arith.constant 128 : i32
      %add3A_378 = arith.addi %add3A_360, %add3A_377 : i32
      %swap3A_379 = arith.index_cast %add3A_378 : i32 to index
      %swap3A_380 = tpu.vector_load %arg9[%swap3A_379] {strides = array<i32>} : memref<12800xf32, #tpu.memory_space<vmem>>, vector<16xf32>,
      tpu.vector_store %arg9[%swap3A_379], %gather3A_304 {strides = array<i32>} : memref<12800xf32, #tpu.memory_space<vmem>>, vector<16xf32>,
      %add3A_381 = arith.constant 256 : i32
      %add3A_382 = arith.addi %add3A_360, %add3A_381 : i32
      %swap3A_383 = arith.index_cast %add3A_382 : i32 to index
      %swap3A_384 = tpu.vector_load %arg9[%swap3A_383] {strides = array<i32>} : memref<12800xf32, #tpu.memory_space<vmem>>, vector<16xf32>,
      tpu.vector_store %arg9[%swap3A_383], %gather3A_308 {strides = array<i32>} : memref<12800xf32, #tpu.memory_space<vmem>>, vector<16xf32>,
      %add3A_385 = arith.constant 0 : i32
      %add3A_386 = vector.broadcast %add3A_385 : i32 to vector<16xi32>
      %add3A_387 = arith.addi %add3A_148, %add3A_386 : vector<16xi32>
      %gather3A_388 = tpu.vector_load_idx %arg6[%add3A_387] : memref<8192xf32, #tpu.memory_space<vmem>>[vector<16xi32>], vector<16xf32>,
      %add3A_389 = arith.constant 128 : i32
      %add3A_390 = vector.broadcast %add3A_389 : i32 to vector<16xi32>
      %add3A_391 = arith.addi %add3A_148, %add3A_390 : vector<16xi32>
      %gather3A_392 = tpu.vector_load_idx %arg6[%add3A_391] : memref<8192xf32, #tpu.memory_space<vmem>>[vector<16xi32>], vector<16xf32>,
      %add3A_393 = arith.constant 256 : i32
      %add3A_394 = vector.broadcast %add3A_393 : i32 to vector<16xi32>
      %add3A_395 = arith.addi %add3A_148, %add3A_394 : vector<16xi32>
      %gather3A_396 = tpu.vector_load_idx %arg6[%add3A_395] : memref<8192xf32, #tpu.memory_space<vmem>>[vector<16xi32>], vector<16xf32>,
      %add3A_397 = arith.constant 4096 : i32
      %add3A_398 = vector.broadcast %add3A_397 : i32 to vector<16xi32>
      %add3A_399 = arith.addi %add3A_148, %add3A_398 : vector<16xi32>
      %gather3A_400 = tpu.vector_load_idx %arg6[%add3A_399] : memref<8192xf32, #tpu.memory_space<vmem>>[vector<16xi32>], vector<16xf32>,
      %add3A_401 = arith.constant 4224 : i32
      %add3A_402 = vector.broadcast %add3A_401 : i32 to vector<16xi32>
      %add3A_403 = arith.addi %add3A_148, %add3A_402 : vector<16xi32>
      %gather3A_404 = tpu.vector_load_idx %arg6[%add3A_403] : memref<8192xf32, #tpu.memory_space<vmem>>[vector<16xi32>], vector<16xf32>,
      %add3A_405 = arith.constant 4352 : i32
      %add3A_406 = vector.broadcast %add3A_405 : i32 to vector<16xi32>
      %add3A_407 = arith.addi %add3A_148, %add3A_406 : vector<16xi32>
      %gather3A_408 = tpu.vector_load_idx %arg6[%add3A_407] : memref<8192xf32, #tpu.memory_space<vmem>>[vector<16xi32>], vector<16xf32>,
      %add3A_409 = arith.constant 64 : i32
      %add3A_410 = arith.addi %mul3A_74, %add3A_409 : i32
      %add3A_411 = arith.constant 0 : i32
      %add3A_412 = arith.addi %add3A_410, %add3A_411 : i32
      %swap3A_413 = arith.index_cast %add3A_412 : i32 to index
      %swap3A_414 = tpu.vector_load %arg8[%swap3A_413] {strides = array<i32>} : memref<12800xf32, #tpu.memory_space<vmem>>, vector<16xf32>,
      tpu.vector_store %arg8[%swap3A_413], %gather3A_338 {strides = array<i32>} : memref<12800xf32, #tpu.memory_space<vmem>>, vector<16xf32>,
      %add3A_415 = arith.constant 128 : i32
      %add3A_416 = arith.addi %add3A_410, %add3A_415 : i32
      %swap3A_417 = arith.index_cast %add3A_416 : i32 to index
      %swap3A_418 = tpu.vector_load %arg8[%swap3A_417] {strides = array<i32>} : memref<12800xf32, #tpu.memory_space<vmem>>, vector<16xf32>,
      tpu.vector_store %arg8[%swap3A_417], %gather3A_342 {strides = array<i32>} : memref<12800xf32, #tpu.memory_space<vmem>>, vector<16xf32>,
      %add3A_419 = arith.constant 256 : i32
      %add3A_420 = arith.addi %add3A_410, %add3A_419 : i32
      %swap3A_421 = arith.index_cast %add3A_420 : i32 to index
      %swap3A_422 = tpu.vector_load %arg8[%swap3A_421] {strides = array<i32>} : memref<12800xf32, #tpu.memory_space<vmem>>, vector<16xf32>,
      tpu.vector_store %arg8[%swap3A_421], %gather3A_346 {strides = array<i32>} : memref<12800xf32, #tpu.memory_space<vmem>>, vector<16xf32>,
      %add3A_423 = arith.constant 0 : i32
      %add3A_424 = arith.addi %add3A_410, %add3A_423 : i32
      %swap3A_425 = arith.index_cast %add3A_424 : i32 to index
      %swap3A_426 = tpu.vector_load %arg9[%swap3A_425] {strides = array<i32>} : memref<12800xf32, #tpu.memory_space<vmem>>, vector<16xf32>,
      tpu.vector_store %arg9[%swap3A_425], %gather3A_350 {strides = array<i32>} : memref<12800xf32, #tpu.memory_space<vmem>>, vector<16xf32>,
      %add3A_427 = arith.constant 128 : i32
      %add3A_428 = arith.addi %add3A_410, %add3A_427 : i32
      %swap3A_429 = arith.index_cast %add3A_428 : i32 to index
      %swap3A_430 = tpu.vector_load %arg9[%swap3A_429] {strides = array<i32>} : memref<12800xf32, #tpu.memory_space<vmem>>, vector<16xf32>,
      tpu.vector_store %arg9[%swap3A_429], %gather3A_354 {strides = array<i32>} : memref<12800xf32, #tpu.memory_space<vmem>>, vector<16xf32>,
      %add3A_431 = arith.constant 256 : i32
      %add3A_432 = arith.addi %add3A_410, %add3A_431 : i32
      %swap3A_433 = arith.index_cast %add3A_432 : i32 to index
      %swap3A_434 = tpu.vector_load %arg9[%swap3A_433] {strides = array<i32>} : memref<12800xf32, #tpu.memory_space<vmem>>, vector<16xf32>,
      tpu.vector_store %arg9[%swap3A_433], %gather3A_358 {strides = array<i32>} : memref<12800xf32, #tpu.memory_space<vmem>>, vector<16xf32>,
      %add3A_435 = arith.constant 0 : i32
      %add3A_436 = vector.broadcast %add3A_435 : i32 to vector<16xi32>
      %add3A_437 = arith.addi %add3A_155, %add3A_436 : vector<16xi32>
      %gather3A_438 = tpu.vector_load_idx %arg6[%add3A_437] : memref<8192xf32, #tpu.memory_space<vmem>>[vector<16xi32>], vector<16xf32>,
      %add3A_439 = arith.constant 128 : i32
      %add3A_440 = vector.broadcast %add3A_439 : i32 to vector<16xi32>
      %add3A_441 = arith.addi %add3A_155, %add3A_440 : vector<16xi32>
      %gather3A_442 = tpu.vector_load_idx %arg6[%add3A_441] : memref<8192xf32, #tpu.memory_space<vmem>>[vector<16xi32>], vector<16xf32>,
      %add3A_443 = arith.constant 256 : i32
      %add3A_444 = vector.broadcast %add3A_443 : i32 to vector<16xi32>
      %add3A_445 = arith.addi %add3A_155, %add3A_444 : vector<16xi32>
      %gather3A_446 = tpu.vector_load_idx %arg6[%add3A_445] : memref<8192xf32, #tpu.memory_space<vmem>>[vector<16xi32>], vector<16xf32>,
      %add3A_447 = arith.constant 4096 : i32
      %add3A_448 = vector.broadcast %add3A_447 : i32 to vector<16xi32>
      %add3A_449 = arith.addi %add3A_155, %add3A_448 : vector<16xi32>
      %gather3A_450 = tpu.vector_load_idx %arg6[%add3A_449] : memref<8192xf32, #tpu.memory_space<vmem>>[vector<16xi32>], vector<16xf32>,
      %add3A_451 = arith.constant 4224 : i32
      %add3A_452 = vector.broadcast %add3A_451 : i32 to vector<16xi32>
      %add3A_453 = arith.addi %add3A_155, %add3A_452 : vector<16xi32>
      %gather3A_454 = tpu.vector_load_idx %arg6[%add3A_453] : memref<8192xf32, #tpu.memory_space<vmem>>[vector<16xi32>], vector<16xf32>,
      %add3A_455 = arith.constant 4352 : i32
      %add3A_456 = vector.broadcast %add3A_455 : i32 to vector<16xi32>
      %add3A_457 = arith.addi %add3A_155, %add3A_456 : vector<16xi32>
      %gather3A_458 = tpu.vector_load_idx %arg6[%add3A_457] : memref<8192xf32, #tpu.memory_space<vmem>>[vector<16xi32>], vector<16xf32>,
      %add3A_459 = arith.constant 80 : i32
      %add3A_460 = arith.addi %mul3A_74, %add3A_459 : i32
      %add3A_461 = arith.constant 0 : i32
      %add3A_462 = arith.addi %add3A_460, %add3A_461 : i32
      %swap3A_463 = arith.index_cast %add3A_462 : i32 to index
      %swap3A_464 = tpu.vector_load %arg8[%swap3A_463] {strides = array<i32>} : memref<12800xf32, #tpu.memory_space<vmem>>, vector<16xf32>,
      tpu.vector_store %arg8[%swap3A_463], %gather3A_388 {strides = array<i32>} : memref<12800xf32, #tpu.memory_space<vmem>>, vector<16xf32>,
      %add3A_465 = arith.constant 128 : i32
      %add3A_466 = arith.addi %add3A_460, %add3A_465 : i32
      %swap3A_467 = arith.index_cast %add3A_466 : i32 to index
      %swap3A_468 = tpu.vector_load %arg8[%swap3A_467] {strides = array<i32>} : memref<12800xf32, #tpu.memory_space<vmem>>, vector<16xf32>,
      tpu.vector_store %arg8[%swap3A_467], %gather3A_392 {strides = array<i32>} : memref<12800xf32, #tpu.memory_space<vmem>>, vector<16xf32>,
      %add3A_469 = arith.constant 256 : i32
      %add3A_470 = arith.addi %add3A_460, %add3A_469 : i32
      %swap3A_471 = arith.index_cast %add3A_470 : i32 to index
      %swap3A_472 = tpu.vector_load %arg8[%swap3A_471] {strides = array<i32>} : memref<12800xf32, #tpu.memory_space<vmem>>, vector<16xf32>,
      tpu.vector_store %arg8[%swap3A_471], %gather3A_396 {strides = array<i32>} : memref<12800xf32, #tpu.memory_space<vmem>>, vector<16xf32>,
      %add3A_473 = arith.constant 0 : i32
      %add3A_474 = arith.addi %add3A_460, %add3A_473 : i32
      %swap3A_475 = arith.index_cast %add3A_474 : i32 to index
      %swap3A_476 = tpu.vector_load %arg9[%swap3A_475] {strides = array<i32>} : memref<12800xf32, #tpu.memory_space<vmem>>, vector<16xf32>,
      tpu.vector_store %arg9[%swap3A_475], %gather3A_400 {strides = array<i32>} : memref<12800xf32, #tpu.memory_space<vmem>>, vector<16xf32>,
      %add3A_477 = arith.constant 128 : i32
      %add3A_478 = arith.addi %add3A_460, %add3A_477 : i32
      %swap3A_479 = arith.index_cast %add3A_478 : i32 to index
      %swap3A_480 = tpu.vector_load %arg9[%swap3A_479] {strides = array<i32>} : memref<12800xf32, #tpu.memory_space<vmem>>, vector<16xf32>,
      tpu.vector_store %arg9[%swap3A_479], %gather3A_404 {strides = array<i32>} : memref<12800xf32, #tpu.memory_space<vmem>>, vector<16xf32>,
      %add3A_481 = arith.constant 256 : i32
      %add3A_482 = arith.addi %add3A_460, %add3A_481 : i32
      %swap3A_483 = arith.index_cast %add3A_482 : i32 to index
      %swap3A_484 = tpu.vector_load %arg9[%swap3A_483] {strides = array<i32>} : memref<12800xf32, #tpu.memory_space<vmem>>, vector<16xf32>,
      tpu.vector_store %arg9[%swap3A_483], %gather3A_408 {strides = array<i32>} : memref<12800xf32, #tpu.memory_space<vmem>>, vector<16xf32>,
      %add3A_485 = arith.constant 0 : i32
      %add3A_486 = vector.broadcast %add3A_485 : i32 to vector<16xi32>
      %add3A_487 = arith.addi %add3A_162, %add3A_486 : vector<16xi32>
      %gather3A_488 = tpu.vector_load_idx %arg6[%add3A_487] : memref<8192xf32, #tpu.memory_space<vmem>>[vector<16xi32>], vector<16xf32>,
      %add3A_489 = arith.constant 128 : i32
      %add3A_490 = vector.broadcast %add3A_489 : i32 to vector<16xi32>
      %add3A_491 = arith.addi %add3A_162, %add3A_490 : vector<16xi32>
      %gather3A_492 = tpu.vector_load_idx %arg6[%add3A_491] : memref<8192xf32, #tpu.memory_space<vmem>>[vector<16xi32>], vector<16xf32>,
      %add3A_493 = arith.constant 256 : i32
      %add3A_494 = vector.broadcast %add3A_493 : i32 to vector<16xi32>
      %add3A_495 = arith.addi %add3A_162, %add3A_494 : vector<16xi32>
      %gather3A_496 = tpu.vector_load_idx %arg6[%add3A_495] : memref<8192xf32, #tpu.memory_space<vmem>>[vector<16xi32>], vector<16xf32>,
      %add3A_497 = arith.constant 4096 : i32
      %add3A_498 = vector.broadcast %add3A_497 : i32 to vector<16xi32>
      %add3A_499 = arith.addi %add3A_162, %add3A_498 : vector<16xi32>
      %gather3A_500 = tpu.vector_load_idx %arg6[%add3A_499] : memref<8192xf32, #tpu.memory_space<vmem>>[vector<16xi32>], vector<16xf32>,
      %add3A_501 = arith.constant 4224 : i32
      %add3A_502 = vector.broadcast %add3A_501 : i32 to vector<16xi32>
      %add3A_503 = arith.addi %add3A_162, %add3A_502 : vector<16xi32>
      %gather3A_504 = tpu.vector_load_idx %arg6[%add3A_503] : memref<8192xf32, #tpu.memory_space<vmem>>[vector<16xi32>], vector<16xf32>,
      %add3A_505 = arith.constant 4352 : i32
      %add3A_506 = vector.broadcast %add3A_505 : i32 to vector<16xi32>
      %add3A_507 = arith.addi %add3A_162, %add3A_506 : vector<16xi32>
      %gather3A_508 = tpu.vector_load_idx %arg6[%add3A_507] : memref<8192xf32, #tpu.memory_space<vmem>>[vector<16xi32>], vector<16xf32>,
      %add3A_509 = arith.constant 96 : i32
      %add3A_510 = arith.addi %mul3A_74, %add3A_509 : i32
      %add3A_511 = arith.constant 0 : i32
      %add3A_512 = arith.addi %add3A_510, %add3A_511 : i32
      %swap3A_513 = arith.index_cast %add3A_512 : i32 to index
      %swap3A_514 = tpu.vector_load %arg8[%swap3A_513] {strides = array<i32>} : memref<12800xf32, #tpu.memory_space<vmem>>, vector<16xf32>,
      tpu.vector_store %arg8[%swap3A_513], %gather3A_438 {strides = array<i32>} : memref<12800xf32, #tpu.memory_space<vmem>>, vector<16xf32>,
      %add3A_515 = arith.constant 128 : i32
      %add3A_516 = arith.addi %add3A_510, %add3A_515 : i32
      %swap3A_517 = arith.index_cast %add3A_516 : i32 to index
      %swap3A_518 = tpu.vector_load %arg8[%swap3A_517] {strides = array<i32>} : memref<12800xf32, #tpu.memory_space<vmem>>, vector<16xf32>,
      tpu.vector_store %arg8[%swap3A_517], %gather3A_442 {strides = array<i32>} : memref<12800xf32, #tpu.memory_space<vmem>>, vector<16xf32>,
      %add3A_519 = arith.constant 256 : i32
      %add3A_520 = arith.addi %add3A_510, %add3A_519 : i32
      %swap3A_521 = arith.index_cast %add3A_520 : i32 to index
      %swap3A_522 = tpu.vector_load %arg8[%swap3A_521] {strides = array<i32>} : memref<12800xf32, #tpu.memory_space<vmem>>, vector<16xf32>,
      tpu.vector_store %arg8[%swap3A_521], %gather3A_446 {strides = array<i32>} : memref<12800xf32, #tpu.memory_space<vmem>>, vector<16xf32>,
      %add3A_523 = arith.constant 0 : i32
      %add3A_524 = arith.addi %add3A_510, %add3A_523 : i32
      %swap3A_525 = arith.index_cast %add3A_524 : i32 to index
      %swap3A_526 = tpu.vector_load %arg9[%swap3A_525] {strides = array<i32>} : memref<12800xf32, #tpu.memory_space<vmem>>, vector<16xf32>,
      tpu.vector_store %arg9[%swap3A_525], %gather3A_450 {strides = array<i32>} : memref<12800xf32, #tpu.memory_space<vmem>>, vector<16xf32>,
      %add3A_527 = arith.constant 128 : i32
      %add3A_528 = arith.addi %add3A_510, %add3A_527 : i32
      %swap3A_529 = arith.index_cast %add3A_528 : i32 to index
      %swap3A_530 = tpu.vector_load %arg9[%swap3A_529] {strides = array<i32>} : memref<12800xf32, #tpu.memory_space<vmem>>, vector<16xf32>,
      tpu.vector_store %arg9[%swap3A_529], %gather3A_454 {strides = array<i32>} : memref<12800xf32, #tpu.memory_space<vmem>>, vector<16xf32>,
      %add3A_531 = arith.constant 256 : i32
      %add3A_532 = arith.addi %add3A_510, %add3A_531 : i32
      %swap3A_533 = arith.index_cast %add3A_532 : i32 to index
      %swap3A_534 = tpu.vector_load %arg9[%swap3A_533] {strides = array<i32>} : memref<12800xf32, #tpu.memory_space<vmem>>, vector<16xf32>,
      tpu.vector_store %arg9[%swap3A_533], %gather3A_458 {strides = array<i32>} : memref<12800xf32, #tpu.memory_space<vmem>>, vector<16xf32>,
      %add3A_535 = arith.constant 112 : i32
      %add3A_536 = arith.addi %mul3A_74, %add3A_535 : i32
      %add3A_537 = arith.constant 0 : i32
      %add3A_538 = arith.addi %add3A_536, %add3A_537 : i32
      %swap3A_539 = arith.index_cast %add3A_538 : i32 to index
      %swap3A_540 = tpu.vector_load %arg8[%swap3A_539] {strides = array<i32>} : memref<12800xf32, #tpu.memory_space<vmem>>, vector<16xf32>,
      tpu.vector_store %arg8[%swap3A_539], %gather3A_488 {strides = array<i32>} : memref<12800xf32, #tpu.memory_space<vmem>>, vector<16xf32>,
      %add3A_541 = arith.constant 128 : i32
      %add3A_542 = arith.addi %add3A_536, %add3A_541 : i32
      %swap3A_543 = arith.index_cast %add3A_542 : i32 to index
      %swap3A_544 = tpu.vector_load %arg8[%swap3A_543] {strides = array<i32>} : memref<12800xf32, #tpu.memory_space<vmem>>, vector<16xf32>,
      tpu.vector_store %arg8[%swap3A_543], %gather3A_492 {strides = array<i32>} : memref<12800xf32, #tpu.memory_space<vmem>>, vector<16xf32>,
      %add3A_545 = arith.constant 256 : i32
      %add3A_546 = arith.addi %add3A_536, %add3A_545 : i32
      %swap3A_547 = arith.index_cast %add3A_546 : i32 to index
      %swap3A_548 = tpu.vector_load %arg8[%swap3A_547] {strides = array<i32>} : memref<12800xf32, #tpu.memory_space<vmem>>, vector<16xf32>,
      tpu.vector_store %arg8[%swap3A_547], %gather3A_496 {strides = array<i32>} : memref<12800xf32, #tpu.memory_space<vmem>>, vector<16xf32>,
      %add3A_549 = arith.constant 0 : i32
      %add3A_550 = arith.addi %add3A_536, %add3A_549 : i32
      %swap3A_551 = arith.index_cast %add3A_550 : i32 to index
      %swap3A_552 = tpu.vector_load %arg9[%swap3A_551] {strides = array<i32>} : memref<12800xf32, #tpu.memory_space<vmem>>, vector<16xf32>,
      tpu.vector_store %arg9[%swap3A_551], %gather3A_500 {strides = array<i32>} : memref<12800xf32, #tpu.memory_space<vmem>>, vector<16xf32>,
      %add3A_553 = arith.constant 128 : i32
      %add3A_554 = arith.addi %add3A_536, %add3A_553 : i32
      %swap3A_555 = arith.index_cast %add3A_554 : i32 to index
      %swap3A_556 = tpu.vector_load %arg9[%swap3A_555] {strides = array<i32>} : memref<12800xf32, #tpu.memory_space<vmem>>, vector<16xf32>,
      tpu.vector_store %arg9[%swap3A_555], %gather3A_504 {strides = array<i32>} : memref<12800xf32, #tpu.memory_space<vmem>>, vector<16xf32>,
      %add3A_557 = arith.constant 256 : i32
      %add3A_558 = arith.addi %add3A_536, %add3A_557 : i32
      %swap3A_559 = arith.index_cast %add3A_558 : i32 to index
      %swap3A_560 = tpu.vector_load %arg9[%swap3A_559] {strides = array<i32>} : memref<12800xf32, #tpu.memory_space<vmem>>, vector<16xf32>,
      tpu.vector_store %arg9[%swap3A_559], %gather3A_508 {strides = array<i32>} : memref<12800xf32, #tpu.memory_space<vmem>>, vector<16xf32>,
    }
    %scan3A_15 = arith.constant 13 : i32
    %dma_start3A = arith.constant 0 : i32
    %dma_start3A_16 = tpu.memref_slice %arg8[%dma_start3A] : memref<12800xf32, #tpu.memory_space<vmem>> -> memref<6656xf32, #tpu.memory_space<vmem>>
    %dma_start3A_17 = tpu.memref_slice %arg4[%mul3A_10] : memref<400384xf32, #tpu.memory_space<hbm>> -> memref<6656xf32, #tpu.memory_space<hbm>>
    %dma_start3A_18 = tpu.memref_slice %arg4[%mul3A_10] : memref<400384xf32, #tpu.memory_space<hbm>> -> memref<6656xf32, #tpu.memory_space<hbm>>
    %dma_start3A_19 = arith.constant 0 : i32
    %dma_start3A_20 = tpu.memref_slice %arg8[%dma_start3A_19] : memref<12800xf32, #tpu.memory_space<vmem>> -> memref<6656xf32, #tpu.memory_space<vmem>>
    tpu.enqueue_dma source(%dma_start3A_20 : memref<6656xf32, #tpu.memory_space<vmem>>) target(%dma_start3A_18 : memref<6656xf32, #tpu.memory_space<hbm>>) target_semaphore(%arg10 : memref<!tpu.dma_semaphore, #tpu.memory_space<semaphore_mem>>)
    %dma_start3A_21 = arith.constant 0 : i32
    %dma_start3A_22 = tpu.memref_slice %arg9[%dma_start3A_21] : memref<12800xf32, #tpu.memory_space<vmem>> -> memref<6656xf32, #tpu.memory_space<vmem>>
    %dma_start3A_23 = tpu.memref_slice %arg5[%mul3A_10] : memref<400384xf32, #tpu.memory_space<hbm>> -> memref<6656xf32, #tpu.memory_space<hbm>>
    %dma_start3A_24 = tpu.memref_slice %arg5[%mul3A_10] : memref<400384xf32, #tpu.memory_space<hbm>> -> memref<6656xf32, #tpu.memory_space<hbm>>
    %dma_start3A_25 = arith.constant 0 : i32
    %dma_start3A_26 = tpu.memref_slice %arg9[%dma_start3A_25] : memref<12800xf32, #tpu.memory_space<vmem>> -> memref<6656xf32, #tpu.memory_space<vmem>>
    tpu.enqueue_dma source(%dma_start3A_26 : memref<6656xf32, #tpu.memory_space<vmem>>) target(%dma_start3A_24 : memref<6656xf32, #tpu.memory_space<hbm>>) target_semaphore(%arg10 : memref<!tpu.dma_semaphore, #tpu.memory_space<semaphore_mem>>)
    %scan3A_27 = arith.constant 0 : i32
    %scan3A_28 = arith.constant 13 : i32
    %scan3A_29 = arith.constant 12 : i32
    %scan3A_30 = arith.addi %scan3A_28, %scan3A_29 : i32
    %scan3A_31 = arith.constant 1 : i32
    scf.for %scan3A_72 = %scan3A_28 to %scan3A_30 step %scan3A_31  : i32 {
      %mul3A_73 = arith.constant 512 : i32
      %mul3A_74 = arith.muli %scan3A_72, %mul3A_73 : i32
      %mul3A_75 = arith.constant 128 : i32
      %mul3A_76 = arith.muli %scan3A_72, %mul3A_75 : i32
      %add3A_77 = arith.constant 0 : i32
      %add3A_78 = arith.addi %mul3A_76, %add3A_77 : i32
      %get3A = arith.index_cast %add3A_78 : i32 to index
      %get3A_79 = tpu.vector_load %arg7[%get3A] {strides = array<i32>} : memref<3200xi32, #tpu.memory_space<vmem>>, vector<16xi32>,
      %add3A_80 = arith.constant 16 : i32
      %add3A_81 = arith.addi %mul3A_76, %add3A_80 : i32
      %get3A_82 = arith.index_cast %add3A_81 : i32 to index
      %get3A_83 = tpu.vector_load %arg7[%get3A_82] {strides = array<i32>} : memref<3200xi32, #tpu.memory_space<vmem>>, vector<16xi32>,
      %add3A_84 = arith.constant 32 : i32
      %add3A_85 = arith.addi %mul3A_76, %add3A_84 : i32
      %get3A_86 = arith.index_cast %add3A_85 : i32 to index
      %get3A_87 = tpu.vector_load %arg7[%get3A_86] {strides = array<i32>} : memref<3200xi32, #tpu.memory_space<vmem>>, vector<16xi32>,
      %add3A_88 = arith.constant 48 : i32
      %add3A_89 = arith.addi %mul3A_76, %add3A_88 : i32
      %get3A_90 = arith.index_cast %add3A_89 : i32 to index
      %get3A_91 = tpu.vector_load %arg7[%get3A_90] {strides = array<i32>} : memref<3200xi32, #tpu.memory_space<vmem>>, vector<16xi32>,
      %add3A_92 = arith.constant 64 : i32
      %add3A_93 = arith.addi %mul3A_76, %add3A_92 : i32
      %get3A_94 = arith.index_cast %add3A_93 : i32 to index
      %get3A_95 = tpu.vector_load %arg7[%get3A_94] {strides = array<i32>} : memref<3200xi32, #tpu.memory_space<vmem>>, vector<16xi32>,
      %add3A_96 = arith.constant 80 : i32
      %add3A_97 = arith.addi %mul3A_76, %add3A_96 : i32
      %get3A_98 = arith.index_cast %add3A_97 : i32 to index
      %get3A_99 = tpu.vector_load %arg7[%get3A_98] {strides = array<i32>} : memref<3200xi32, #tpu.memory_space<vmem>>, vector<16xi32>,
      %add3A_100 = arith.constant 96 : i32
      %add3A_101 = arith.addi %mul3A_76, %add3A_100 : i32
      %get3A_102 = arith.index_cast %add3A_101 : i32 to index
      %get3A_103 = tpu.vector_load %arg7[%get3A_102] {strides = array<i32>} : memref<3200xi32, #tpu.memory_space<vmem>>, vector<16xi32>,
      %add3A_104 = arith.constant 112 : i32
      %add3A_105 = arith.addi %mul3A_76, %add3A_104 : i32
      %get3A_106 = arith.index_cast %add3A_105 : i32 to index
      %get3A_107 = tpu.vector_load %arg7[%get3A_106] {strides = array<i32>} : memref<3200xi32, #tpu.memory_space<vmem>>, vector<16xi32>,
      %shift_right_arithmetic3A = arith.constant 7 : i32
      %shift_right_arithmetic3A_108 = vector.broadcast %shift_right_arithmetic3A : i32 to vector<16xi32>
      %shift_right_arithmetic3A_109 = arith.shrsi %get3A_79, %shift_right_arithmetic3A_108 : vector<16xi32>
      %mul3A_110 = arith.constant 384 : i32
      %mul3A_111 = vector.broadcast %mul3A_110 : i32 to vector<16xi32>
      %mul3A_112 = arith.muli %shift_right_arithmetic3A_109, %mul3A_111 : vector<16xi32>
      %add3A_113 = arith.addi %get3A_79, %mul3A_112 : vector<16xi32>
      %shift_right_arithmetic3A_114 = arith.constant 7 : i32
      %shift_right_arithmetic3A_115 = vector.broadcast %shift_right_arithmetic3A_114 : i32 to vector<16xi32>
      %shift_right_arithmetic3A_116 = arith.shrsi %get3A_83, %shift_right_arithmetic3A_115 : vector<16xi32>
      %mul3A_117 = arith.constant 384 : i32
      %mul3A_118 = vector.broadcast %mul3A_117 : i32 to vector<16xi32>
      %mul3A_119 = arith.muli %shift_right_arithmetic3A_116, %mul3A_118 : vector<16xi32>
      %add3A_120 = arith.addi %get3A_83, %mul3A_119 : vector<16xi32>
      %shift_right_arithmetic3A_121 = arith.constant 7 : i32
      %shift_right_arithmetic3A_122 = vector.broadcast %shift_right_arithmetic3A_121 : i32 to vector<16xi32>
      %shift_right_arithmetic3A_123 = arith.shrsi %get3A_87, %shift_right_arithmetic3A_122 : vector<16xi32>
      %mul3A_124 = arith.constant 384 : i32
      %mul3A_125 = vector.broadcast %mul3A_124 : i32 to vector<16xi32>
      %mul3A_126 = arith.muli %shift_right_arithmetic3A_123, %mul3A_125 : vector<16xi32>
      %add3A_127 = arith.addi %get3A_87, %mul3A_126 : vector<16xi32>
      %shift_right_arithmetic3A_128 = arith.constant 7 : i32
      %shift_right_arithmetic3A_129 = vector.broadcast %shift_right_arithmetic3A_128 : i32 to vector<16xi32>
      %shift_right_arithmetic3A_130 = arith.shrsi %get3A_91, %shift_right_arithmetic3A_129 : vector<16xi32>
      %mul3A_131 = arith.constant 384 : i32
      %mul3A_132 = vector.broadcast %mul3A_131 : i32 to vector<16xi32>
      %mul3A_133 = arith.muli %shift_right_arithmetic3A_130, %mul3A_132 : vector<16xi32>
      %add3A_134 = arith.addi %get3A_91, %mul3A_133 : vector<16xi32>
      %shift_right_arithmetic3A_135 = arith.constant 7 : i32
      %shift_right_arithmetic3A_136 = vector.broadcast %shift_right_arithmetic3A_135 : i32 to vector<16xi32>
      %shift_right_arithmetic3A_137 = arith.shrsi %get3A_95, %shift_right_arithmetic3A_136 : vector<16xi32>
      %mul3A_138 = arith.constant 384 : i32
      %mul3A_139 = vector.broadcast %mul3A_138 : i32 to vector<16xi32>
      %mul3A_140 = arith.muli %shift_right_arithmetic3A_137, %mul3A_139 : vector<16xi32>
      %add3A_141 = arith.addi %get3A_95, %mul3A_140 : vector<16xi32>
      %shift_right_arithmetic3A_142 = arith.constant 7 : i32
      %shift_right_arithmetic3A_143 = vector.broadcast %shift_right_arithmetic3A_142 : i32 to vector<16xi32>
      %shift_right_arithmetic3A_144 = arith.shrsi %get3A_99, %shift_right_arithmetic3A_143 : vector<16xi32>
      %mul3A_145 = arith.constant 384 : i32
      %mul3A_146 = vector.broadcast %mul3A_145 : i32 to vector<16xi32>
      %mul3A_147 = arith.muli %shift_right_arithmetic3A_144, %mul3A_146 : vector<16xi32>
      %add3A_148 = arith.addi %get3A_99, %mul3A_147 : vector<16xi32>
      %shift_right_arithmetic3A_149 = arith.constant 7 : i32
      %shift_right_arithmetic3A_150 = vector.broadcast %shift_right_arithmetic3A_149 : i32 to vector<16xi32>
      %shift_right_arithmetic3A_151 = arith.shrsi %get3A_103, %shift_right_arithmetic3A_150 : vector<16xi32>
      %mul3A_152 = arith.constant 384 : i32
      %mul3A_153 = vector.broadcast %mul3A_152 : i32 to vector<16xi32>
      %mul3A_154 = arith.muli %shift_right_arithmetic3A_151, %mul3A_153 : vector<16xi32>
      %add3A_155 = arith.addi %get3A_103, %mul3A_154 : vector<16xi32>
      %shift_right_arithmetic3A_156 = arith.constant 7 : i32
      %shift_right_arithmetic3A_157 = vector.broadcast %shift_right_arithmetic3A_156 : i32 to vector<16xi32>
      %shift_right_arithmetic3A_158 = arith.shrsi %get3A_107, %shift_right_arithmetic3A_157 : vector<16xi32>
      %mul3A_159 = arith.constant 384 : i32
      %mul3A_160 = vector.broadcast %mul3A_159 : i32 to vector<16xi32>
      %mul3A_161 = arith.muli %shift_right_arithmetic3A_158, %mul3A_160 : vector<16xi32>
      %add3A_162 = arith.addi %get3A_107, %mul3A_161 : vector<16xi32>
      %add3A_163 = arith.constant 0 : i32
      %add3A_164 = vector.broadcast %add3A_163 : i32 to vector<16xi32>
      %add3A_165 = arith.addi %add3A_113, %add3A_164 : vector<16xi32>
      %gather3A = tpu.vector_load_idx %arg6[%add3A_165] : memref<8192xf32, #tpu.memory_space<vmem>>[vector<16xi32>], vector<16xf32>,
      %add3A_166 = arith.constant 128 : i32
      %add3A_167 = vector.broadcast %add3A_166 : i32 to vector<16xi32>
      %add3A_168 = arith.addi %add3A_113, %add3A_167 : vector<16xi32>
      %gather3A_169 = tpu.vector_load_idx %arg6[%add3A_168] : memref<8192xf32, #tpu.memory_space<vmem>>[vector<16xi32>], vector<16xf32>,
      %add3A_170 = arith.constant 256 : i32
      %add3A_171 = vector.broadcast %add3A_170 : i32 to vector<16xi32>
      %add3A_172 = arith.addi %add3A_113, %add3A_171 : vector<16xi32>
      %gather3A_173 = tpu.vector_load_idx %arg6[%add3A_172] : memref<8192xf32, #tpu.memory_space<vmem>>[vector<16xi32>], vector<16xf32>,
      %add3A_174 = arith.constant 4096 : i32
      %add3A_175 = vector.broadcast %add3A_174 : i32 to vector<16xi32>
      %add3A_176 = arith.addi %add3A_113, %add3A_175 : vector<16xi32>
      %gather3A_177 = tpu.vector_load_idx %arg6[%add3A_176] : memref<8192xf32, #tpu.memory_space<vmem>>[vector<16xi32>], vector<16xf32>,
      %add3A_178 = arith.constant 4224 : i32
      %add3A_179 = vector.broadcast %add3A_178 : i32 to vector<16xi32>
      %add3A_180 = arith.addi %add3A_113, %add3A_179 : vector<16xi32>
      %gather3A_181 = tpu.vector_load_idx %arg6[%add3A_180] : memref<8192xf32, #tpu.memory_space<vmem>>[vector<16xi32>], vector<16xf32>,
      %add3A_182 = arith.constant 4352 : i32
      %add3A_183 = vector.broadcast %add3A_182 : i32 to vector<16xi32>
      %add3A_184 = arith.addi %add3A_113, %add3A_183 : vector<16xi32>
      %gather3A_185 = tpu.vector_load_idx %arg6[%add3A_184] : memref<8192xf32, #tpu.memory_space<vmem>>[vector<16xi32>], vector<16xf32>,
      %add3A_186 = arith.constant 0 : i32
      %add3A_187 = vector.broadcast %add3A_186 : i32 to vector<16xi32>
      %add3A_188 = arith.addi %add3A_120, %add3A_187 : vector<16xi32>
      %gather3A_189 = tpu.vector_load_idx %arg6[%add3A_188] : memref<8192xf32, #tpu.memory_space<vmem>>[vector<16xi32>], vector<16xf32>,
      %add3A_190 = arith.constant 128 : i32
      %add3A_191 = vector.broadcast %add3A_190 : i32 to vector<16xi32>
      %add3A_192 = arith.addi %add3A_120, %add3A_191 : vector<16xi32>
      %gather3A_193 = tpu.vector_load_idx %arg6[%add3A_192] : memref<8192xf32, #tpu.memory_space<vmem>>[vector<16xi32>], vector<16xf32>,
      %add3A_194 = arith.constant 256 : i32
      %add3A_195 = vector.broadcast %add3A_194 : i32 to vector<16xi32>
      %add3A_196 = arith.addi %add3A_120, %add3A_195 : vector<16xi32>
      %gather3A_197 = tpu.vector_load_idx %arg6[%add3A_196] : memref<8192xf32, #tpu.memory_space<vmem>>[vector<16xi32>], vector<16xf32>,
      %add3A_198 = arith.constant 4096 : i32
      %add3A_199 = vector.broadcast %add3A_198 : i32 to vector<16xi32>
      %add3A_200 = arith.addi %add3A_120, %add3A_199 : vector<16xi32>
      %gather3A_201 = tpu.vector_load_idx %arg6[%add3A_200] : memref<8192xf32, #tpu.memory_space<vmem>>[vector<16xi32>], vector<16xf32>,
      %add3A_202 = arith.constant 4224 : i32
      %add3A_203 = vector.broadcast %add3A_202 : i32 to vector<16xi32>
      %add3A_204 = arith.addi %add3A_120, %add3A_203 : vector<16xi32>
      %gather3A_205 = tpu.vector_load_idx %arg6[%add3A_204] : memref<8192xf32, #tpu.memory_space<vmem>>[vector<16xi32>], vector<16xf32>,
      %add3A_206 = arith.constant 4352 : i32
      %add3A_207 = vector.broadcast %add3A_206 : i32 to vector<16xi32>
      %add3A_208 = arith.addi %add3A_120, %add3A_207 : vector<16xi32>
      %gather3A_209 = tpu.vector_load_idx %arg6[%add3A_208] : memref<8192xf32, #tpu.memory_space<vmem>>[vector<16xi32>], vector<16xf32>,
      %add3A_210 = arith.constant 0 : i32
      %add3A_211 = arith.addi %mul3A_74, %add3A_210 : i32
      %add3A_212 = arith.constant 0 : i32
      %add3A_213 = arith.addi %add3A_211, %add3A_212 : i32
      %swap3A = arith.index_cast %add3A_213 : i32 to index
      %swap3A_214 = tpu.vector_load %arg8[%swap3A] {strides = array<i32>} : memref<12800xf32, #tpu.memory_space<vmem>>, vector<16xf32>,
      tpu.vector_store %arg8[%swap3A], %gather3A {strides = array<i32>} : memref<12800xf32, #tpu.memory_space<vmem>>, vector<16xf32>,
      %add3A_215 = arith.constant 128 : i32
      %add3A_216 = arith.addi %add3A_211, %add3A_215 : i32
      %swap3A_217 = arith.index_cast %add3A_216 : i32 to index
      %swap3A_218 = tpu.vector_load %arg8[%swap3A_217] {strides = array<i32>} : memref<12800xf32, #tpu.memory_space<vmem>>, vector<16xf32>,
      tpu.vector_store %arg8[%swap3A_217], %gather3A_169 {strides = array<i32>} : memref<12800xf32, #tpu.memory_space<vmem>>, vector<16xf32>,
      %add3A_219 = arith.constant 256 : i32
      %add3A_220 = arith.addi %add3A_211, %add3A_219 : i32
      %swap3A_221 = arith.index_cast %add3A_220 : i32 to index
      %swap3A_222 = tpu.vector_load %arg8[%swap3A_221] {strides = array<i32>} : memref<12800xf32, #tpu.memory_space<vmem>>, vector<16xf32>,
      tpu.vector_store %arg8[%swap3A_221], %gather3A_173 {strides = array<i32>} : memref<12800xf32, #tpu.memory_space<vmem>>, vector<16xf32>,
      %add3A_223 = arith.constant 0 : i32
      %add3A_224 = arith.addi %add3A_211, %add3A_223 : i32
      %swap3A_225 = arith.index_cast %add3A_224 : i32 to index
      %swap3A_226 = tpu.vector_load %arg9[%swap3A_225] {strides = array<i32>} : memref<12800xf32, #tpu.memory_space<vmem>>, vector<16xf32>,
      tpu.vector_store %arg9[%swap3A_225], %gather3A_177 {strides = array<i32>} : memref<12800xf32, #tpu.memory_space<vmem>>, vector<16xf32>,
      %add3A_227 = arith.constant 128 : i32
      %add3A_228 = arith.addi %add3A_211, %add3A_227 : i32
      %swap3A_229 = arith.index_cast %add3A_228 : i32 to index
      %swap3A_230 = tpu.vector_load %arg9[%swap3A_229] {strides = array<i32>} : memref<12800xf32, #tpu.memory_space<vmem>>, vector<16xf32>,
      tpu.vector_store %arg9[%swap3A_229], %gather3A_181 {strides = array<i32>} : memref<12800xf32, #tpu.memory_space<vmem>>, vector<16xf32>,
      %add3A_231 = arith.constant 256 : i32
      %add3A_232 = arith.addi %add3A_211, %add3A_231 : i32
      %swap3A_233 = arith.index_cast %add3A_232 : i32 to index
      %swap3A_234 = tpu.vector_load %arg9[%swap3A_233] {strides = array<i32>} : memref<12800xf32, #tpu.memory_space<vmem>>, vector<16xf32>,
      tpu.vector_store %arg9[%swap3A_233], %gather3A_185 {strides = array<i32>} : memref<12800xf32, #tpu.memory_space<vmem>>, vector<16xf32>,
      %add3A_235 = arith.constant 0 : i32
      %add3A_236 = vector.broadcast %add3A_235 : i32 to vector<16xi32>
      %add3A_237 = arith.addi %add3A_127, %add3A_236 : vector<16xi32>
      %gather3A_238 = tpu.vector_load_idx %arg6[%add3A_237] : memref<8192xf32, #tpu.memory_space<vmem>>[vector<16xi32>], vector<16xf32>,
      %add3A_239 = arith.constant 128 : i32
      %add3A_240 = vector.broadcast %add3A_239 : i32 to vector<16xi32>
      %add3A_241 = arith.addi %add3A_127, %add3A_240 : vector<16xi32>
      %gather3A_242 = tpu.vector_load_idx %arg6[%add3A_241] : memref<8192xf32, #tpu.memory_space<vmem>>[vector<16xi32>], vector<16xf32>,
      %add3A_243 = arith.constant 256 : i32
      %add3A_244 = vector.broadcast %add3A_243 : i32 to vector<16xi32>
      %add3A_245 = arith.addi %add3A_127, %add3A_244 : vector<16xi32>
      %gather3A_246 = tpu.vector_load_idx %arg6[%add3A_245] : memref<8192xf32, #tpu.memory_space<vmem>>[vector<16xi32>], vector<16xf32>,
      %add3A_247 = arith.constant 4096 : i32
      %add3A_248 = vector.broadcast %add3A_247 : i32 to vector<16xi32>
      %add3A_249 = arith.addi %add3A_127, %add3A_248 : vector<16xi32>
      %gather3A_250 = tpu.vector_load_idx %arg6[%add3A_249] : memref<8192xf32, #tpu.memory_space<vmem>>[vector<16xi32>], vector<16xf32>,
      %add3A_251 = arith.constant 4224 : i32
      %add3A_252 = vector.broadcast %add3A_251 : i32 to vector<16xi32>
      %add3A_253 = arith.addi %add3A_127, %add3A_252 : vector<16xi32>
      %gather3A_254 = tpu.vector_load_idx %arg6[%add3A_253] : memref<8192xf32, #tpu.memory_space<vmem>>[vector<16xi32>], vector<16xf32>,
      %add3A_255 = arith.constant 4352 : i32
      %add3A_256 = vector.broadcast %add3A_255 : i32 to vector<16xi32>
      %add3A_257 = arith.addi %add3A_127, %add3A_256 : vector<16xi32>
      %gather3A_258 = tpu.vector_load_idx %arg6[%add3A_257] : memref<8192xf32, #tpu.memory_space<vmem>>[vector<16xi32>], vector<16xf32>,
      %add3A_259 = arith.constant 16 : i32
      %add3A_260 = arith.addi %mul3A_74, %add3A_259 : i32
      %add3A_261 = arith.constant 0 : i32
      %add3A_262 = arith.addi %add3A_260, %add3A_261 : i32
      %swap3A_263 = arith.index_cast %add3A_262 : i32 to index
      %swap3A_264 = tpu.vector_load %arg8[%swap3A_263] {strides = array<i32>} : memref<12800xf32, #tpu.memory_space<vmem>>, vector<16xf32>,
      tpu.vector_store %arg8[%swap3A_263], %gather3A_189 {strides = array<i32>} : memref<12800xf32, #tpu.memory_space<vmem>>, vector<16xf32>,
      %add3A_265 = arith.constant 128 : i32
      %add3A_266 = arith.addi %add3A_260, %add3A_265 : i32
      %swap3A_267 = arith.index_cast %add3A_266 : i32 to index
      %swap3A_268 = tpu.vector_load %arg8[%swap3A_267] {strides = array<i32>} : memref<12800xf32, #tpu.memory_space<vmem>>, vector<16xf32>,
      tpu.vector_store %arg8[%swap3A_267], %gather3A_193 {strides = array<i32>} : memref<12800xf32, #tpu.memory_space<vmem>>, vector<16xf32>,
      %add3A_269 = arith.constant 256 : i32
      %add3A_270 = arith.addi %add3A_260, %add3A_269 : i32
      %swap3A_271 = arith.index_cast %add3A_270 : i32 to index
      %swap3A_272 = tpu.vector_load %arg8[%swap3A_271] {strides = array<i32>} : memref<12800xf32, #tpu.memory_space<vmem>>, vector<16xf32>,
      tpu.vector_store %arg8[%swap3A_271], %gather3A_197 {strides = array<i32>} : memref<12800xf32, #tpu.memory_space<vmem>>, vector<16xf32>,
      %add3A_273 = arith.constant 0 : i32
      %add3A_274 = arith.addi %add3A_260, %add3A_273 : i32
      %swap3A_275 = arith.index_cast %add3A_274 : i32 to index
      %swap3A_276 = tpu.vector_load %arg9[%swap3A_275] {strides = array<i32>} : memref<12800xf32, #tpu.memory_space<vmem>>, vector<16xf32>,
      tpu.vector_store %arg9[%swap3A_275], %gather3A_201 {strides = array<i32>} : memref<12800xf32, #tpu.memory_space<vmem>>, vector<16xf32>,
      %add3A_277 = arith.constant 128 : i32
      %add3A_278 = arith.addi %add3A_260, %add3A_277 : i32
      %swap3A_279 = arith.index_cast %add3A_278 : i32 to index
      %swap3A_280 = tpu.vector_load %arg9[%swap3A_279] {strides = array<i32>} : memref<12800xf32, #tpu.memory_space<vmem>>, vector<16xf32>,
      tpu.vector_store %arg9[%swap3A_279], %gather3A_205 {strides = array<i32>} : memref<12800xf32, #tpu.memory_space<vmem>>, vector<16xf32>,
      %add3A_281 = arith.constant 256 : i32
      %add3A_282 = arith.addi %add3A_260, %add3A_281 : i32
      %swap3A_283 = arith.index_cast %add3A_282 : i32 to index
      %swap3A_284 = tpu.vector_load %arg9[%swap3A_283] {strides = array<i32>} : memref<12800xf32, #tpu.memory_space<vmem>>, vector<16xf32>,
      tpu.vector_store %arg9[%swap3A_283], %gather3A_209 {strides = array<i32>} : memref<12800xf32, #tpu.memory_space<vmem>>, vector<16xf32>,
      %add3A_285 = arith.constant 0 : i32
      %add3A_286 = vector.broadcast %add3A_285 : i32 to vector<16xi32>
      %add3A_287 = arith.addi %add3A_134, %add3A_286 : vector<16xi32>
      %gather3A_288 = tpu.vector_load_idx %arg6[%add3A_287] : memref<8192xf32, #tpu.memory_space<vmem>>[vector<16xi32>], vector<16xf32>,
      %add3A_289 = arith.constant 128 : i32
      %add3A_290 = vector.broadcast %add3A_289 : i32 to vector<16xi32>
      %add3A_291 = arith.addi %add3A_134, %add3A_290 : vector<16xi32>
      %gather3A_292 = tpu.vector_load_idx %arg6[%add3A_291] : memref<8192xf32, #tpu.memory_space<vmem>>[vector<16xi32>], vector<16xf32>,
      %add3A_293 = arith.constant 256 : i32
      %add3A_294 = vector.broadcast %add3A_293 : i32 to vector<16xi32>
      %add3A_295 = arith.addi %add3A_134, %add3A_294 : vector<16xi32>
      %gather3A_296 = tpu.vector_load_idx %arg6[%add3A_295] : memref<8192xf32, #tpu.memory_space<vmem>>[vector<16xi32>], vector<16xf32>,
      %add3A_297 = arith.constant 4096 : i32
      %add3A_298 = vector.broadcast %add3A_297 : i32 to vector<16xi32>
      %add3A_299 = arith.addi %add3A_134, %add3A_298 : vector<16xi32>
      %gather3A_300 = tpu.vector_load_idx %arg6[%add3A_299] : memref<8192xf32, #tpu.memory_space<vmem>>[vector<16xi32>], vector<16xf32>,
      %add3A_301 = arith.constant 4224 : i32
      %add3A_302 = vector.broadcast %add3A_301 : i32 to vector<16xi32>
      %add3A_303 = arith.addi %add3A_134, %add3A_302 : vector<16xi32>
      %gather3A_304 = tpu.vector_load_idx %arg6[%add3A_303] : memref<8192xf32, #tpu.memory_space<vmem>>[vector<16xi32>], vector<16xf32>,
      %add3A_305 = arith.constant 4352 : i32
      %add3A_306 = vector.broadcast %add3A_305 : i32 to vector<16xi32>
      %add3A_307 = arith.addi %add3A_134, %add3A_306 : vector<16xi32>
      %gather3A_308 = tpu.vector_load_idx %arg6[%add3A_307] : memref<8192xf32, #tpu.memory_space<vmem>>[vector<16xi32>], vector<16xf32>,
      %add3A_309 = arith.constant 32 : i32
      %add3A_310 = arith.addi %mul3A_74, %add3A_309 : i32
      %add3A_311 = arith.constant 0 : i32
      %add3A_312 = arith.addi %add3A_310, %add3A_311 : i32
      %swap3A_313 = arith.index_cast %add3A_312 : i32 to index
      %swap3A_314 = tpu.vector_load %arg8[%swap3A_313] {strides = array<i32>} : memref<12800xf32, #tpu.memory_space<vmem>>, vector<16xf32>,
      tpu.vector_store %arg8[%swap3A_313], %gather3A_238 {strides = array<i32>} : memref<12800xf32, #tpu.memory_space<vmem>>, vector<16xf32>,
      %add3A_315 = arith.constant 128 : i32
      %add3A_316 = arith.addi %add3A_310, %add3A_315 : i32
      %swap3A_317 = arith.index_cast %add3A_316 : i32 to index
      %swap3A_318 = tpu.vector_load %arg8[%swap3A_317] {strides = array<i32>} : memref<12800xf32, #tpu.memory_space<vmem>>, vector<16xf32>,
      tpu.vector_store %arg8[%swap3A_317], %gather3A_242 {strides = array<i32>} : memref<12800xf32, #tpu.memory_space<vmem>>, vector<16xf32>,
      %add3A_319 = arith.constant 256 : i32
      %add3A_320 = arith.addi %add3A_310, %add3A_319 : i32
      %swap3A_321 = arith.index_cast %add3A_320 : i32 to index
      %swap3A_322 = tpu.vector_load %arg8[%swap3A_321] {strides = array<i32>} : memref<12800xf32, #tpu.memory_space<vmem>>, vector<16xf32>,
      tpu.vector_store %arg8[%swap3A_321], %gather3A_246 {strides = array<i32>} : memref<12800xf32, #tpu.memory_space<vmem>>, vector<16xf32>,
      %add3A_323 = arith.constant 0 : i32
      %add3A_324 = arith.addi %add3A_310, %add3A_323 : i32
      %swap3A_325 = arith.index_cast %add3A_324 : i32 to index
      %swap3A_326 = tpu.vector_load %arg9[%swap3A_325] {strides = array<i32>} : memref<12800xf32, #tpu.memory_space<vmem>>, vector<16xf32>,
      tpu.vector_store %arg9[%swap3A_325], %gather3A_250 {strides = array<i32>} : memref<12800xf32, #tpu.memory_space<vmem>>, vector<16xf32>,
      %add3A_327 = arith.constant 128 : i32
      %add3A_328 = arith.addi %add3A_310, %add3A_327 : i32
      %swap3A_329 = arith.index_cast %add3A_328 : i32 to index
      %swap3A_330 = tpu.vector_load %arg9[%swap3A_329] {strides = array<i32>} : memref<12800xf32, #tpu.memory_space<vmem>>, vector<16xf32>,
      tpu.vector_store %arg9[%swap3A_329], %gather3A_254 {strides = array<i32>} : memref<12800xf32, #tpu.memory_space<vmem>>, vector<16xf32>,
      %add3A_331 = arith.constant 256 : i32
      %add3A_332 = arith.addi %add3A_310, %add3A_331 : i32
      %swap3A_333 = arith.index_cast %add3A_332 : i32 to index
      %swap3A_334 = tpu.vector_load %arg9[%swap3A_333] {strides = array<i32>} : memref<12800xf32, #tpu.memory_space<vmem>>, vector<16xf32>,
      tpu.vector_store %arg9[%swap3A_333], %gather3A_258 {strides = array<i32>} : memref<12800xf32, #tpu.memory_space<vmem>>, vector<16xf32>,
      %add3A_335 = arith.constant 0 : i32
      %add3A_336 = vector.broadcast %add3A_335 : i32 to vector<16xi32>
      %add3A_337 = arith.addi %add3A_141, %add3A_336 : vector<16xi32>
      %gather3A_338 = tpu.vector_load_idx %arg6[%add3A_337] : memref<8192xf32, #tpu.memory_space<vmem>>[vector<16xi32>], vector<16xf32>,
      %add3A_339 = arith.constant 128 : i32
      %add3A_340 = vector.broadcast %add3A_339 : i32 to vector<16xi32>
      %add3A_341 = arith.addi %add3A_141, %add3A_340 : vector<16xi32>
      %gather3A_342 = tpu.vector_load_idx %arg6[%add3A_341] : memref<8192xf32, #tpu.memory_space<vmem>>[vector<16xi32>], vector<16xf32>,
      %add3A_343 = arith.constant 256 : i32
      %add3A_344 = vector.broadcast %add3A_343 : i32 to vector<16xi32>
      %add3A_345 = arith.addi %add3A_141, %add3A_344 : vector<16xi32>
      %gather3A_346 = tpu.vector_load_idx %arg6[%add3A_345] : memref<8192xf32, #tpu.memory_space<vmem>>[vector<16xi32>], vector<16xf32>,
      %add3A_347 = arith.constant 4096 : i32
      %add3A_348 = vector.broadcast %add3A_347 : i32 to vector<16xi32>
      %add3A_349 = arith.addi %add3A_141, %add3A_348 : vector<16xi32>
      %gather3A_350 = tpu.vector_load_idx %arg6[%add3A_349] : memref<8192xf32, #tpu.memory_space<vmem>>[vector<16xi32>], vector<16xf32>,
      %add3A_351 = arith.constant 4224 : i32
      %add3A_352 = vector.broadcast %add3A_351 : i32 to vector<16xi32>
      %add3A_353 = arith.addi %add3A_141, %add3A_352 : vector<16xi32>
      %gather3A_354 = tpu.vector_load_idx %arg6[%add3A_353] : memref<8192xf32, #tpu.memory_space<vmem>>[vector<16xi32>], vector<16xf32>,
      %add3A_355 = arith.constant 4352 : i32
      %add3A_356 = vector.broadcast %add3A_355 : i32 to vector<16xi32>
      %add3A_357 = arith.addi %add3A_141, %add3A_356 : vector<16xi32>
      %gather3A_358 = tpu.vector_load_idx %arg6[%add3A_357] : memref<8192xf32, #tpu.memory_space<vmem>>[vector<16xi32>], vector<16xf32>,
      %add3A_359 = arith.constant 48 : i32
      %add3A_360 = arith.addi %mul3A_74, %add3A_359 : i32
      %add3A_361 = arith.constant 0 : i32
      %add3A_362 = arith.addi %add3A_360, %add3A_361 : i32
      %swap3A_363 = arith.index_cast %add3A_362 : i32 to index
      %swap3A_364 = tpu.vector_load %arg8[%swap3A_363] {strides = array<i32>} : memref<12800xf32, #tpu.memory_space<vmem>>, vector<16xf32>,
      tpu.vector_store %arg8[%swap3A_363], %gather3A_288 {strides = array<i32>} : memref<12800xf32, #tpu.memory_space<vmem>>, vector<16xf32>,
      %add3A_365 = arith.constant 128 : i32
      %add3A_366 = arith.addi %add3A_360, %add3A_365 : i32
      %swap3A_367 = arith.index_cast %add3A_366 : i32 to index
      %swap3A_368 = tpu.vector_load %arg8[%swap3A_367] {strides = array<i32>} : memref<12800xf32, #tpu.memory_space<vmem>>, vector<16xf32>,
      tpu.vector_store %arg8[%swap3A_367], %gather3A_292 {strides = array<i32>} : memref<12800xf32, #tpu.memory_space<vmem>>, vector<16xf32>,
      %add3A_369 = arith.constant 256 : i32
      %add3A_370 = arith.addi %add3A_360, %add3A_369 : i32
      %swap3A_371 = arith.index_cast %add3A_370 : i32 to index
      %swap3A_372 = tpu.vector_load %arg8[%swap3A_371] {strides = array<i32>} : memref<12800xf32, #tpu.memory_space<vmem>>, vector<16xf32>,
      tpu.vector_store %arg8[%swap3A_371], %gather3A_296 {strides = array<i32>} : memref<12800xf32, #tpu.memory_space<vmem>>, vector<16xf32>,
      %add3A_373 = arith.constant 0 : i32
      %add3A_374 = arith.addi %add3A_360, %add3A_373 : i32
      %swap3A_375 = arith.index_cast %add3A_374 : i32 to index
      %swap3A_376 = tpu.vector_load %arg9[%swap3A_375] {strides = array<i32>} : memref<12800xf32, #tpu.memory_space<vmem>>, vector<16xf32>,
      tpu.vector_store %arg9[%swap3A_375], %gather3A_300 {strides = array<i32>} : memref<12800xf32, #tpu.memory_space<vmem>>, vector<16xf32>,
      %add3A_377 = arith.constant 128 : i32
      %add3A_378 = arith.addi %add3A_360, %add3A_377 : i32
      %swap3A_379 = arith.index_cast %add3A_378 : i32 to index
      %swap3A_380 = tpu.vector_load %arg9[%swap3A_379] {strides = array<i32>} : memref<12800xf32, #tpu.memory_space<vmem>>, vector<16xf32>,
      tpu.vector_store %arg9[%swap3A_379], %gather3A_304 {strides = array<i32>} : memref<12800xf32, #tpu.memory_space<vmem>>, vector<16xf32>,
      %add3A_381 = arith.constant 256 : i32
      %add3A_382 = arith.addi %add3A_360, %add3A_381 : i32
      %swap3A_383 = arith.index_cast %add3A_382 : i32 to index
      %swap3A_384 = tpu.vector_load %arg9[%swap3A_383] {strides = array<i32>} : memref<12800xf32, #tpu.memory_space<vmem>>, vector<16xf32>,
      tpu.vector_store %arg9[%swap3A_383], %gather3A_308 {strides = array<i32>} : memref<12800xf32, #tpu.memory_space<vmem>>, vector<16xf32>,
      %add3A_385 = arith.constant 0 : i32
      %add3A_386 = vector.broadcast %add3A_385 : i32 to vector<16xi32>
      %add3A_387 = arith.addi %add3A_148, %add3A_386 : vector<16xi32>
      %gather3A_388 = tpu.vector_load_idx %arg6[%add3A_387] : memref<8192xf32, #tpu.memory_space<vmem>>[vector<16xi32>], vector<16xf32>,
      %add3A_389 = arith.constant 128 : i32
      %add3A_390 = vector.broadcast %add3A_389 : i32 to vector<16xi32>
      %add3A_391 = arith.addi %add3A_148, %add3A_390 : vector<16xi32>
      %gather3A_392 = tpu.vector_load_idx %arg6[%add3A_391] : memref<8192xf32, #tpu.memory_space<vmem>>[vector<16xi32>], vector<16xf32>,
      %add3A_393 = arith.constant 256 : i32
      %add3A_394 = vector.broadcast %add3A_393 : i32 to vector<16xi32>
      %add3A_395 = arith.addi %add3A_148, %add3A_394 : vector<16xi32>
      %gather3A_396 = tpu.vector_load_idx %arg6[%add3A_395] : memref<8192xf32, #tpu.memory_space<vmem>>[vector<16xi32>], vector<16xf32>,
      %add3A_397 = arith.constant 4096 : i32
      %add3A_398 = vector.broadcast %add3A_397 : i32 to vector<16xi32>
      %add3A_399 = arith.addi %add3A_148, %add3A_398 : vector<16xi32>
      %gather3A_400 = tpu.vector_load_idx %arg6[%add3A_399] : memref<8192xf32, #tpu.memory_space<vmem>>[vector<16xi32>], vector<16xf32>,
      %add3A_401 = arith.constant 4224 : i32
      %add3A_402 = vector.broadcast %add3A_401 : i32 to vector<16xi32>
      %add3A_403 = arith.addi %add3A_148, %add3A_402 : vector<16xi32>
      %gather3A_404 = tpu.vector_load_idx %arg6[%add3A_403] : memref<8192xf32, #tpu.memory_space<vmem>>[vector<16xi32>], vector<16xf32>,
      %add3A_405 = arith.constant 4352 : i32
      %add3A_406 = vector.broadcast %add3A_405 : i32 to vector<16xi32>
      %add3A_407 = arith.addi %add3A_148, %add3A_406 : vector<16xi32>
      %gather3A_408 = tpu.vector_load_idx %arg6[%add3A_407] : memref<8192xf32, #tpu.memory_space<vmem>>[vector<16xi32>], vector<16xf32>,
      %add3A_409 = arith.constant 64 : i32
      %add3A_410 = arith.addi %mul3A_74, %add3A_409 : i32
      %add3A_411 = arith.constant 0 : i32
      %add3A_412 = arith.addi %add3A_410, %add3A_411 : i32
      %swap3A_413 = arith.index_cast %add3A_412 : i32 to index
      %swap3A_414 = tpu.vector_load %arg8[%swap3A_413] {strides = array<i32>} : memref<12800xf32, #tpu.memory_space<vmem>>, vector<16xf32>,
      tpu.vector_store %arg8[%swap3A_413], %gather3A_338 {strides = array<i32>} : memref<12800xf32, #tpu.memory_space<vmem>>, vector<16xf32>,
      %add3A_415 = arith.constant 128 : i32
      %add3A_416 = arith.addi %add3A_410, %add3A_415 : i32
      %swap3A_417 = arith.index_cast %add3A_416 : i32 to index
      %swap3A_418 = tpu.vector_load %arg8[%swap3A_417] {strides = array<i32>} : memref<12800xf32, #tpu.memory_space<vmem>>, vector<16xf32>,
      tpu.vector_store %arg8[%swap3A_417], %gather3A_342 {strides = array<i32>} : memref<12800xf32, #tpu.memory_space<vmem>>, vector<16xf32>,
      %add3A_419 = arith.constant 256 : i32
      %add3A_420 = arith.addi %add3A_410, %add3A_419 : i32
      %swap3A_421 = arith.index_cast %add3A_420 : i32 to index
      %swap3A_422 = tpu.vector_load %arg8[%swap3A_421] {strides = array<i32>} : memref<12800xf32, #tpu.memory_space<vmem>>, vector<16xf32>,
      tpu.vector_store %arg8[%swap3A_421], %gather3A_346 {strides = array<i32>} : memref<12800xf32, #tpu.memory_space<vmem>>, vector<16xf32>,
      %add3A_423 = arith.constant 0 : i32
      %add3A_424 = arith.addi %add3A_410, %add3A_423 : i32
      %swap3A_425 = arith.index_cast %add3A_424 : i32 to index
      %swap3A_426 = tpu.vector_load %arg9[%swap3A_425] {strides = array<i32>} : memref<12800xf32, #tpu.memory_space<vmem>>, vector<16xf32>,
      tpu.vector_store %arg9[%swap3A_425], %gather3A_350 {strides = array<i32>} : memref<12800xf32, #tpu.memory_space<vmem>>, vector<16xf32>,
      %add3A_427 = arith.constant 128 : i32
      %add3A_428 = arith.addi %add3A_410, %add3A_427 : i32
      %swap3A_429 = arith.index_cast %add3A_428 : i32 to index
      %swap3A_430 = tpu.vector_load %arg9[%swap3A_429] {strides = array<i32>} : memref<12800xf32, #tpu.memory_space<vmem>>, vector<16xf32>,
      tpu.vector_store %arg9[%swap3A_429], %gather3A_354 {strides = array<i32>} : memref<12800xf32, #tpu.memory_space<vmem>>, vector<16xf32>,
      %add3A_431 = arith.constant 256 : i32
      %add3A_432 = arith.addi %add3A_410, %add3A_431 : i32
      %swap3A_433 = arith.index_cast %add3A_432 : i32 to index
      %swap3A_434 = tpu.vector_load %arg9[%swap3A_433] {strides = array<i32>} : memref<12800xf32, #tpu.memory_space<vmem>>, vector<16xf32>,
      tpu.vector_store %arg9[%swap3A_433], %gather3A_358 {strides = array<i32>} : memref<12800xf32, #tpu.memory_space<vmem>>, vector<16xf32>,
      %add3A_435 = arith.constant 0 : i32
      %add3A_436 = vector.broadcast %add3A_435 : i32 to vector<16xi32>
      %add3A_437 = arith.addi %add3A_155, %add3A_436 : vector<16xi32>
      %gather3A_438 = tpu.vector_load_idx %arg6[%add3A_437] : memref<8192xf32, #tpu.memory_space<vmem>>[vector<16xi32>], vector<16xf32>,
      %add3A_439 = arith.constant 128 : i32
      %add3A_440 = vector.broadcast %add3A_439 : i32 to vector<16xi32>
      %add3A_441 = arith.addi %add3A_155, %add3A_440 : vector<16xi32>
      %gather3A_442 = tpu.vector_load_idx %arg6[%add3A_441] : memref<8192xf32, #tpu.memory_space<vmem>>[vector<16xi32>], vector<16xf32>,
      %add3A_443 = arith.constant 256 : i32
      %add3A_444 = vector.broadcast %add3A_443 : i32 to vector<16xi32>
      %add3A_445 = arith.addi %add3A_155, %add3A_444 : vector<16xi32>
      %gather3A_446 = tpu.vector_load_idx %arg6[%add3A_445] : memref<8192xf32, #tpu.memory_space<vmem>>[vector<16xi32>], vector<16xf32>,
      %add3A_447 = arith.constant 4096 : i32
      %add3A_448 = vector.broadcast %add3A_447 : i32 to vector<16xi32>
      %add3A_449 = arith.addi %add3A_155, %add3A_448 : vector<16xi32>
      %gather3A_450 = tpu.vector_load_idx %arg6[%add3A_449] : memref<8192xf32, #tpu.memory_space<vmem>>[vector<16xi32>], vector<16xf32>,
      %add3A_451 = arith.constant 4224 : i32
      %add3A_452 = vector.broadcast %add3A_451 : i32 to vector<16xi32>
      %add3A_453 = arith.addi %add3A_155, %add3A_452 : vector<16xi32>
      %gather3A_454 = tpu.vector_load_idx %arg6[%add3A_453] : memref<8192xf32, #tpu.memory_space<vmem>>[vector<16xi32>], vector<16xf32>,
      %add3A_455 = arith.constant 4352 : i32
      %add3A_456 = vector.broadcast %add3A_455 : i32 to vector<16xi32>
      %add3A_457 = arith.addi %add3A_155, %add3A_456 : vector<16xi32>
      %gather3A_458 = tpu.vector_load_idx %arg6[%add3A_457] : memref<8192xf32, #tpu.memory_space<vmem>>[vector<16xi32>], vector<16xf32>,
      %add3A_459 = arith.constant 80 : i32
      %add3A_460 = arith.addi %mul3A_74, %add3A_459 : i32
      %add3A_461 = arith.constant 0 : i32
      %add3A_462 = arith.addi %add3A_460, %add3A_461 : i32
      %swap3A_463 = arith.index_cast %add3A_462 : i32 to index
      %swap3A_464 = tpu.vector_load %arg8[%swap3A_463] {strides = array<i32>} : memref<12800xf32, #tpu.memory_space<vmem>>, vector<16xf32>,
      tpu.vector_store %arg8[%swap3A_463], %gather3A_388 {strides = array<i32>} : memref<12800xf32, #tpu.memory_space<vmem>>, vector<16xf32>,
      %add3A_465 = arith.constant 128 : i32
      %add3A_466 = arith.addi %add3A_460, %add3A_465 : i32
      %swap3A_467 = arith.index_cast %add3A_466 : i32 to index
      %swap3A_468 = tpu.vector_load %arg8[%swap3A_467] {strides = array<i32>} : memref<12800xf32, #tpu.memory_space<vmem>>, vector<16xf32>,
      tpu.vector_store %arg8[%swap3A_467], %gather3A_392 {strides = array<i32>} : memref<12800xf32, #tpu.memory_space<vmem>>, vector<16xf32>,
      %add3A_469 = arith.constant 256 : i32
      %add3A_470 = arith.addi %add3A_460, %add3A_469 : i32
      %swap3A_471 = arith.index_cast %add3A_470 : i32 to index
      %swap3A_472 = tpu.vector_load %arg8[%swap3A_471] {strides = array<i32>} : memref<12800xf32, #tpu.memory_space<vmem>>, vector<16xf32>,
      tpu.vector_store %arg8[%swap3A_471], %gather3A_396 {strides = array<i32>} : memref<12800xf32, #tpu.memory_space<vmem>>, vector<16xf32>,
      %add3A_473 = arith.constant 0 : i32
      %add3A_474 = arith.addi %add3A_460, %add3A_473 : i32
      %swap3A_475 = arith.index_cast %add3A_474 : i32 to index
      %swap3A_476 = tpu.vector_load %arg9[%swap3A_475] {strides = array<i32>} : memref<12800xf32, #tpu.memory_space<vmem>>, vector<16xf32>,
      tpu.vector_store %arg9[%swap3A_475], %gather3A_400 {strides = array<i32>} : memref<12800xf32, #tpu.memory_space<vmem>>, vector<16xf32>,
      %add3A_477 = arith.constant 128 : i32
      %add3A_478 = arith.addi %add3A_460, %add3A_477 : i32
      %swap3A_479 = arith.index_cast %add3A_478 : i32 to index
      %swap3A_480 = tpu.vector_load %arg9[%swap3A_479] {strides = array<i32>} : memref<12800xf32, #tpu.memory_space<vmem>>, vector<16xf32>,
      tpu.vector_store %arg9[%swap3A_479], %gather3A_404 {strides = array<i32>} : memref<12800xf32, #tpu.memory_space<vmem>>, vector<16xf32>,
      %add3A_481 = arith.constant 256 : i32
      %add3A_482 = arith.addi %add3A_460, %add3A_481 : i32
      %swap3A_483 = arith.index_cast %add3A_482 : i32 to index
      %swap3A_484 = tpu.vector_load %arg9[%swap3A_483] {strides = array<i32>} : memref<12800xf32, #tpu.memory_space<vmem>>, vector<16xf32>,
      tpu.vector_store %arg9[%swap3A_483], %gather3A_408 {strides = array<i32>} : memref<12800xf32, #tpu.memory_space<vmem>>, vector<16xf32>,
      %add3A_485 = arith.constant 0 : i32
      %add3A_486 = vector.broadcast %add3A_485 : i32 to vector<16xi32>
      %add3A_487 = arith.addi %add3A_162, %add3A_486 : vector<16xi32>
      %gather3A_488 = tpu.vector_load_idx %arg6[%add3A_487] : memref<8192xf32, #tpu.memory_space<vmem>>[vector<16xi32>], vector<16xf32>,
      %add3A_489 = arith.constant 128 : i32
      %add3A_490 = vector.broadcast %add3A_489 : i32 to vector<16xi32>
      %add3A_491 = arith.addi %add3A_162, %add3A_490 : vector<16xi32>
      %gather3A_492 = tpu.vector_load_idx %arg6[%add3A_491] : memref<8192xf32, #tpu.memory_space<vmem>>[vector<16xi32>], vector<16xf32>,
      %add3A_493 = arith.constant 256 : i32
      %add3A_494 = vector.broadcast %add3A_493 : i32 to vector<16xi32>
      %add3A_495 = arith.addi %add3A_162, %add3A_494 : vector<16xi32>
      %gather3A_496 = tpu.vector_load_idx %arg6[%add3A_495] : memref<8192xf32, #tpu.memory_space<vmem>>[vector<16xi32>], vector<16xf32>,
      %add3A_497 = arith.constant 4096 : i32
      %add3A_498 = vector.broadcast %add3A_497 : i32 to vector<16xi32>
      %add3A_499 = arith.addi %add3A_162, %add3A_498 : vector<16xi32>
      %gather3A_500 = tpu.vector_load_idx %arg6[%add3A_499] : memref<8192xf32, #tpu.memory_space<vmem>>[vector<16xi32>], vector<16xf32>,
      %add3A_501 = arith.constant 4224 : i32
      %add3A_502 = vector.broadcast %add3A_501 : i32 to vector<16xi32>
      %add3A_503 = arith.addi %add3A_162, %add3A_502 : vector<16xi32>
      %gather3A_504 = tpu.vector_load_idx %arg6[%add3A_503] : memref<8192xf32, #tpu.memory_space<vmem>>[vector<16xi32>], vector<16xf32>,
      %add3A_505 = arith.constant 4352 : i32
      %add3A_506 = vector.broadcast %add3A_505 : i32 to vector<16xi32>
      %add3A_507 = arith.addi %add3A_162, %add3A_506 : vector<16xi32>
      %gather3A_508 = tpu.vector_load_idx %arg6[%add3A_507] : memref<8192xf32, #tpu.memory_space<vmem>>[vector<16xi32>], vector<16xf32>,
      %add3A_509 = arith.constant 96 : i32
      %add3A_510 = arith.addi %mul3A_74, %add3A_509 : i32
      %add3A_511 = arith.constant 0 : i32
      %add3A_512 = arith.addi %add3A_510, %add3A_511 : i32
      %swap3A_513 = arith.index_cast %add3A_512 : i32 to index
      %swap3A_514 = tpu.vector_load %arg8[%swap3A_513] {strides = array<i32>} : memref<12800xf32, #tpu.memory_space<vmem>>, vector<16xf32>,
      tpu.vector_store %arg8[%swap3A_513], %gather3A_438 {strides = array<i32>} : memref<12800xf32, #tpu.memory_space<vmem>>, vector<16xf32>,
      %add3A_515 = arith.constant 128 : i32
      %add3A_516 = arith.addi %add3A_510, %add3A_515 : i32
      %swap3A_517 = arith.index_cast %add3A_516 : i32 to index
      %swap3A_518 = tpu.vector_load %arg8[%swap3A_517] {strides = array<i32>} : memref<12800xf32, #tpu.memory_space<vmem>>, vector<16xf32>,
      tpu.vector_store %arg8[%swap3A_517], %gather3A_442 {strides = array<i32>} : memref<12800xf32, #tpu.memory_space<vmem>>, vector<16xf32>,
      %add3A_519 = arith.constant 256 : i32
      %add3A_520 = arith.addi %add3A_510, %add3A_519 : i32
      %swap3A_521 = arith.index_cast %add3A_520 : i32 to index
      %swap3A_522 = tpu.vector_load %arg8[%swap3A_521] {strides = array<i32>} : memref<12800xf32, #tpu.memory_space<vmem>>, vector<16xf32>,
      tpu.vector_store %arg8[%swap3A_521], %gather3A_446 {strides = array<i32>} : memref<12800xf32, #tpu.memory_space<vmem>>, vector<16xf32>,
      %add3A_523 = arith.constant 0 : i32
      %add3A_524 = arith.addi %add3A_510, %add3A_523 : i32
      %swap3A_525 = arith.index_cast %add3A_524 : i32 to index
      %swap3A_526 = tpu.vector_load %arg9[%swap3A_525] {strides = array<i32>} : memref<12800xf32, #tpu.memory_space<vmem>>, vector<16xf32>,
      tpu.vector_store %arg9[%swap3A_525], %gather3A_450 {strides = array<i32>} : memref<12800xf32, #tpu.memory_space<vmem>>, vector<16xf32>,
      %add3A_527 = arith.constant 128 : i32
      %add3A_528 = arith.addi %add3A_510, %add3A_527 : i32
      %swap3A_529 = arith.index_cast %add3A_528 : i32 to index
      %swap3A_530 = tpu.vector_load %arg9[%swap3A_529] {strides = array<i32>} : memref<12800xf32, #tpu.memory_space<vmem>>, vector<16xf32>,
      tpu.vector_store %arg9[%swap3A_529], %gather3A_454 {strides = array<i32>} : memref<12800xf32, #tpu.memory_space<vmem>>, vector<16xf32>,
      %add3A_531 = arith.constant 256 : i32
      %add3A_532 = arith.addi %add3A_510, %add3A_531 : i32
      %swap3A_533 = arith.index_cast %add3A_532 : i32 to index
      %swap3A_534 = tpu.vector_load %arg9[%swap3A_533] {strides = array<i32>} : memref<12800xf32, #tpu.memory_space<vmem>>, vector<16xf32>,
      tpu.vector_store %arg9[%swap3A_533], %gather3A_458 {strides = array<i32>} : memref<12800xf32, #tpu.memory_space<vmem>>, vector<16xf32>,
      %add3A_535 = arith.constant 112 : i32
      %add3A_536 = arith.addi %mul3A_74, %add3A_535 : i32
      %add3A_537 = arith.constant 0 : i32
      %add3A_538 = arith.addi %add3A_536, %add3A_537 : i32
      %swap3A_539 = arith.index_cast %add3A_538 : i32 to index
      %swap3A_540 = tpu.vector_load %arg8[%swap3A_539] {strides = array<i32>} : memref<12800xf32, #tpu.memory_space<vmem>>, vector<16xf32>,
      tpu.vector_store %arg8[%swap3A_539], %gather3A_488 {strides = array<i32>} : memref<12800xf32, #tpu.memory_space<vmem>>, vector<16xf32>,
      %add3A_541 = arith.constant 128 : i32
      %add3A_542 = arith.addi %add3A_536, %add3A_541 : i32
      %swap3A_543 = arith.index_cast %add3A_542 : i32 to index
      %swap3A_544 = tpu.vector_load %arg8[%swap3A_543] {strides = array<i32>} : memref<12800xf32, #tpu.memory_space<vmem>>, vector<16xf32>,
      tpu.vector_store %arg8[%swap3A_543], %gather3A_492 {strides = array<i32>} : memref<12800xf32, #tpu.memory_space<vmem>>, vector<16xf32>,
      %add3A_545 = arith.constant 256 : i32
      %add3A_546 = arith.addi %add3A_536, %add3A_545 : i32
      %swap3A_547 = arith.index_cast %add3A_546 : i32 to index
      %swap3A_548 = tpu.vector_load %arg8[%swap3A_547] {strides = array<i32>} : memref<12800xf32, #tpu.memory_space<vmem>>, vector<16xf32>,
      tpu.vector_store %arg8[%swap3A_547], %gather3A_496 {strides = array<i32>} : memref<12800xf32, #tpu.memory_space<vmem>>, vector<16xf32>,
      %add3A_549 = arith.constant 0 : i32
      %add3A_550 = arith.addi %add3A_536, %add3A_549 : i32
      %swap3A_551 = arith.index_cast %add3A_550 : i32 to index
      %swap3A_552 = tpu.vector_load %arg9[%swap3A_551] {strides = array<i32>} : memref<12800xf32, #tpu.memory_space<vmem>>, vector<16xf32>,
      tpu.vector_store %arg9[%swap3A_551], %gather3A_500 {strides = array<i32>} : memref<12800xf32, #tpu.memory_space<vmem>>, vector<16xf32>,
      %add3A_553 = arith.constant 128 : i32
      %add3A_554 = arith.addi %add3A_536, %add3A_553 : i32
      %swap3A_555 = arith.index_cast %add3A_554 : i32 to index
      %swap3A_556 = tpu.vector_load %arg9[%swap3A_555] {strides = array<i32>} : memref<12800xf32, #tpu.memory_space<vmem>>, vector<16xf32>,
      tpu.vector_store %arg9[%swap3A_555], %gather3A_504 {strides = array<i32>} : memref<12800xf32, #tpu.memory_space<vmem>>, vector<16xf32>,
      %add3A_557 = arith.constant 256 : i32
      %add3A_558 = arith.addi %add3A_536, %add3A_557 : i32
      %swap3A_559 = arith.index_cast %add3A_558 : i32 to index
      %swap3A_560 = tpu.vector_load %arg9[%swap3A_559] {strides = array<i32>} : memref<12800xf32, #tpu.memory_space<vmem>>, vector<16xf32>,
      tpu.vector_store %arg9[%swap3A_559], %gather3A_508 {strides = array<i32>} : memref<12800xf32, #tpu.memory_space<vmem>>, vector<16xf32>,
    }
    %scan3A_32 = arith.constant 12 : i32
    %add3A_33 = arith.constant 6656 : i32
    %add3A_34 = arith.addi %mul3A_10, %add3A_33 : i32
    %dma_start3A_35 = arith.constant 6656 : i32
    %dma_start3A_36 = tpu.memref_slice %arg8[%dma_start3A_35] : memref<12800xf32, #tpu.memory_space<vmem>> -> memref<6144xf32, #tpu.memory_space<vmem>>
    %dma_start3A_37 = tpu.memref_slice %arg4[%add3A_34] : memref<400384xf32, #tpu.memory_space<hbm>> -> memref<6144xf32, #tpu.memory_space<hbm>>
    %dma_start3A_38 = tpu.memref_slice %arg4[%add3A_34] : memref<400384xf32, #tpu.memory_space<hbm>> -> memref<6144xf32, #tpu.memory_space<hbm>>
    %dma_start3A_39 = arith.constant 6656 : i32
    %dma_start3A_40 = tpu.memref_slice %arg8[%dma_start3A_39] : memref<12800xf32, #tpu.memory_space<vmem>> -> memref<6144xf32, #tpu.memory_space<vmem>>
    tpu.enqueue_dma source(%dma_start3A_40 : memref<6144xf32, #tpu.memory_space<vmem>>) target(%dma_start3A_38 : memref<6144xf32, #tpu.memory_space<hbm>>) target_semaphore(%arg10 : memref<!tpu.dma_semaphore, #tpu.memory_space<semaphore_mem>>)
    %add3A_41 = arith.constant 6656 : i32
    %add3A_42 = arith.addi %mul3A_10, %add3A_41 : i32
    %dma_start3A_43 = arith.constant 6656 : i32
    %dma_start3A_44 = tpu.memref_slice %arg9[%dma_start3A_43] : memref<12800xf32, #tpu.memory_space<vmem>> -> memref<6144xf32, #tpu.memory_space<vmem>>
    %dma_start3A_45 = tpu.memref_slice %arg5[%add3A_42] : memref<400384xf32, #tpu.memory_space<hbm>> -> memref<6144xf32, #tpu.memory_space<hbm>>
    %dma_start3A_46 = tpu.memref_slice %arg5[%add3A_42] : memref<400384xf32, #tpu.memory_space<hbm>> -> memref<6144xf32, #tpu.memory_space<hbm>>
    %dma_start3A_47 = arith.constant 6656 : i32
    %dma_start3A_48 = tpu.memref_slice %arg9[%dma_start3A_47] : memref<12800xf32, #tpu.memory_space<vmem>> -> memref<6144xf32, #tpu.memory_space<vmem>>
    tpu.enqueue_dma source(%dma_start3A_48 : memref<6144xf32, #tpu.memory_space<vmem>>) target(%dma_start3A_46 : memref<6144xf32, #tpu.memory_space<hbm>>) target_semaphore(%arg10 : memref<!tpu.dma_semaphore, #tpu.memory_space<semaphore_mem>>)
    %dma_wait3A = arith.constant 0 : i32
    %dma_wait3A_49 = tpu.memref_slice %arg8[%dma_wait3A] : memref<12800xf32, #tpu.memory_space<vmem>> -> memref<6656xf32, #tpu.memory_space<vmem>>
    %dma_wait3A_50 = tpu.memref_slice %arg4[%mul3A_10] : memref<400384xf32, #tpu.memory_space<hbm>> -> memref<6656xf32, #tpu.memory_space<hbm>>
    %dma_wait3A_51 = tpu.memref_slice %arg4[%mul3A_10] : memref<400384xf32, #tpu.memory_space<hbm>> -> memref<6656xf32, #tpu.memory_space<hbm>>
    %dma_wait3A_52 = arith.constant 0 : i32
    %dma_wait3A_53 = tpu.memref_slice %arg8[%dma_wait3A_52] : memref<12800xf32, #tpu.memory_space<vmem>> -> memref<6656xf32, #tpu.memory_space<vmem>>
    tpu.wait_dma2 semaphore(%arg10 : memref<!tpu.dma_semaphore, #tpu.memory_space<semaphore_mem>>) src(%dma_wait3A_53 : memref<6656xf32, #tpu.memory_space<vmem>>) dst(%dma_wait3A_51 : memref<6656xf32, #tpu.memory_space<hbm>>)
    %dma_wait3A_54 = arith.constant 0 : i32
    %dma_wait3A_55 = tpu.memref_slice %arg9[%dma_wait3A_54] : memref<12800xf32, #tpu.memory_space<vmem>> -> memref<6656xf32, #tpu.memory_space<vmem>>
    %dma_wait3A_56 = tpu.memref_slice %arg5[%mul3A_10] : memref<400384xf32, #tpu.memory_space<hbm>> -> memref<6656xf32, #tpu.memory_space<hbm>>
    %dma_wait3A_57 = tpu.memref_slice %arg5[%mul3A_10] : memref<400384xf32, #tpu.memory_space<hbm>> -> memref<6656xf32, #tpu.memory_space<hbm>>
    %dma_wait3A_58 = arith.constant 0 : i32
    %dma_wait3A_59 = tpu.memref_slice %arg9[%dma_wait3A_58] : memref<12800xf32, #tpu.memory_space<vmem>> -> memref<6656xf32, #tpu.memory_space<vmem>>
    tpu.wait_dma2 semaphore(%arg10 : memref<!tpu.dma_semaphore, #tpu.memory_space<semaphore_mem>>) src(%dma_wait3A_59 : memref<6656xf32, #tpu.memory_space<vmem>>) dst(%dma_wait3A_57 : memref<6656xf32, #tpu.memory_space<hbm>>)
    %dma_wait3A_60 = arith.constant 6656 : i32
    %dma_wait3A_61 = tpu.memref_slice %arg8[%dma_wait3A_60] : memref<12800xf32, #tpu.memory_space<vmem>> -> memref<6144xf32, #tpu.memory_space<vmem>>
    %dma_wait3A_62 = tpu.memref_slice %arg4[%add3A_34] : memref<400384xf32, #tpu.memory_space<hbm>> -> memref<6144xf32, #tpu.memory_space<hbm>>
    %dma_wait3A_63 = tpu.memref_slice %arg4[%add3A_34] : memref<400384xf32, #tpu.memory_space<hbm>> -> memref<6144xf32, #tpu.memory_space<hbm>>
    %dma_wait3A_64 = arith.constant 6656 : i32
    %dma_wait3A_65 = tpu.memref_slice %arg8[%dma_wait3A_64] : memref<12800xf32, #tpu.memory_space<vmem>> -> memref<6144xf32, #tpu.memory_space<vmem>>
    tpu.wait_dma2 semaphore(%arg10 : memref<!tpu.dma_semaphore, #tpu.memory_space<semaphore_mem>>) src(%dma_wait3A_65 : memref<6144xf32, #tpu.memory_space<vmem>>) dst(%dma_wait3A_63 : memref<6144xf32, #tpu.memory_space<hbm>>)
    %dma_wait3A_66 = arith.constant 6656 : i32
    %dma_wait3A_67 = tpu.memref_slice %arg9[%dma_wait3A_66] : memref<12800xf32, #tpu.memory_space<vmem>> -> memref<6144xf32, #tpu.memory_space<vmem>>
    %dma_wait3A_68 = tpu.memref_slice %arg5[%add3A_42] : memref<400384xf32, #tpu.memory_space<hbm>> -> memref<6144xf32, #tpu.memory_space<hbm>>
    %dma_wait3A_69 = tpu.memref_slice %arg5[%add3A_42] : memref<400384xf32, #tpu.memory_space<hbm>> -> memref<6144xf32, #tpu.memory_space<hbm>>
    %dma_wait3A_70 = arith.constant 6656 : i32
    %dma_wait3A_71 = tpu.memref_slice %arg9[%dma_wait3A_70] : memref<12800xf32, #tpu.memory_space<vmem>> -> memref<6144xf32, #tpu.memory_space<vmem>>
    tpu.wait_dma2 semaphore(%arg10 : memref<!tpu.dma_semaphore, #tpu.memory_space<semaphore_mem>>) src(%dma_wait3A_71 : memref<6144xf32, #tpu.memory_space<vmem>>) dst(%dma_wait3A_69 : memref<6144xf32, #tpu.memory_space<hbm>>)
    return
  }
}

</mosaic_0001>

<sc_bundles>
// kernel: kernel.3.cloned.1.call-start
scs
__scs_entry_jumppad:
0x0: {  	(pc) =	sbr.rel $0x88, $3  }
0x1: {  	(tag) =	ssettag $0x0;
	lr =	simm.s32 $0x1  }
0x2: {  	[smem:$0x3F9E] =	sst lr;
	_ =	strace $0xD0000000  }
0x3: {  	_ = 	snop  }
0x4: {  	_ = 	snop  }
0x5: {  	_ = 	snop  }
0x6: {  	_ = 	snop  }
0x7: {  	_ = 	snop  }
__scs_overlays_trampoline_lowered:
0x8: {  	[smem:$0x3FAD] =	sst s0  }
0x9: {  	[smem:$0x3FAE] =	sst s1  }
0xa: {  	[smem:$0x3FAF] =	sst s2  }
0xb: {  	[smem:$0x3FB0] =	sst s3  }
0xc: {  	[smem:$0x3FB1] =	sst s4  }
0xd: {  	[smem:$0x3FB2] =	sst s5  }
0xe: {  	[smem:$0x3FB3] =	sst s6  }
0xf: {  	[smem:$0x3FB4] =	sst s7  }
0x10: {  	[smem:$0x3FB5] =	sst s8  }
0x11: {  	[smem:$0x3FB6] =	sst s9;
	s0 =	simm.s32 @!p0 $0x0  }
0x12: {  	s1 =	sld [smem:$0x3F9C];
	s0 =	simm.s32 @p0 $0x1  }
0x13: {  	[smem:$0x3FB7] =	sst s0;
	s0 =	simm.s32 @!p1 $0x0  }
0x14: {  	s2 =	sld [smem:$0x3F9B];
	s0 =	simm.s32 @p1 $0x1  }
0x15: {  	[smem:$0x3FB8] =	sst s0;
	s0 =	simm.s32 @!p2 $0x0  }
0x16: {  	s3 =	sld [smem:$0x3FDB];
	s0 =	simm.s32 @p2 $0x1  }
0x17: {  	s4 =	simm.s32 $0x1BF5;
	[smem:$0x3FBA] =	sst s0  }
0x18: {  	s0 =	sld [smem:$0x3F9D];
	_ =	swait.ge [sflag:s4], $0x0  }
0x19: {  	s7 =	sld [smem:$0x3F9E]  }
0x1a: {  	s8 =	sadd.s32 $0xFFFFE003, lr  }
0x1b: {  	s9 =	sadd.s32 $0xFFFFFEF7, lr;
	s5 =	simm.s32 $0xFFFFFFFF;
	p2 =	slt.u32 s8, $0xFFFFF086  }
0x1c: {  	p1 =	slt.u32 s9, $0xF7A;
	s5 =	simm.s32 @!p2 $0x0  }
0x1d: {  	s5 =	simm.s32 @p1 $0x1;
	p0 =	seq.s32 s7, s2  }
0x1e: {  	s7 =	smul.u32 @!p0 $0xF7A, s2;
	p2 =	seq.s32 @!p0 s5, $0x0  }
0x1f: {  	s9 =	smul.u32 $0xF7A, s1;
	s8 =	simm.s32 @!p0 $0x1BF5;
	p2 =	por !p2, p0  }
0x20: {  	[sflag:s8] =	ssyncset.s32 @!p0 $0xFFFFF086;
	s6 =	sadd.s32 @!p0 s3, s7;
	s7 =	simm.s32 @!p0 $0x108  }
0x21: {  	s3 =	sadd.s32 s3, s9;
	s6 =	sadd.s32 @!p0 $0x88, s6;
	s7 =	simm.s32 @p2 $0x1082  }
0x22: {  	[simem:s7], [sflag:s8] =	dma.local @!p0 [hbm:s6], $0xF7A  }
0x23: {  	s9 =	sor.u32 $0xD0000000, s2;
	s6 =	simm.s32 $0x108;
	_ =	swait.ge @!p0 [sflag:s8], $0x0  }
0x24: {  	s3 =	sadd.s32 $0x88, s3;
	s6 =	simm.s32 @!p1 $0x1082;
	[sflag:s4] =	ssyncset.s32 $0xFFFFF086  }
0x25: {  	[simem:s6], [sflag:s4] =	dma.local [hbm:s3], $0xF7A  }
0x26: {  	[smem:$0x3F9E] =	sst s1;
	(tag) =	ssettag s2;
	_ =	strace s9  }
0x27: {  	s1 =	sld [smem:$0x3FAE]  }
0x28: {  	s2 =	sld [smem:$0x3FAF]  }
0x29: {  	s4 =	sld [smem:$0x3FB1]  }
0x2a: {  	p0 =	seq.s32 s5, $0x0;
	s5 =	sld [smem:$0x3FB2]  }
0x2b: {  	s6 =	sld [smem:$0x3FB3]  }
0x2c: {  	s7 =	sld [smem:$0x3FB4]  }
0x2d: {  	s3 =	simm.s32 $0x108;
	s8 =	sld [smem:$0x3FB5]  }
0x2e: {  	s3 =	simm.s32 @!p0 $0x1082;
	s9 =	sld [smem:$0x3FB6]  }
0x2f: {  	lr =	sadd.s32 s0, s3;
	s0 =	sld [smem:$0x3FAD]  }
0x30: {  	s3 =	sld [smem:$0x3FB0]  }
0x31: {  	[smem:$0x3FB9] =	sst s10  }
0x32: {  	s10 =	sld [smem:$0x3FB7];
	_ =	sdelay $0x3  }
0x33: {  	p0 =	seq.s32 s10, $0x1;
	s10 =	sld [smem:$0x3FB9];
	_ =	sdelay $0x3  }
0x34: {  	[smem:$0x3FB9] =	sst s10  }
0x35: {  	s10 =	sld [smem:$0x3FB8];
	_ =	sdelay $0x3  }
0x36: {  	p1 =	seq.s32 s10, $0x1;
	s10 =	sld [smem:$0x3FB9];
	_ =	sdelay $0x3  }
0x37: {  	[smem:$0x3FB9] =	sst s10  }
0x38: {  	s10 =	sld [smem:$0x3FBA]  }
0x39: {  	_ = 	snop;
	(pc) =	sbr.ind lr, $3  }
0x3a: {  	_ = 	snop  }
0x3b: {  	_ = 	snop  }
0x3c: {  	p2 =	seq.s32 s10, $0x1;
	s10 =	sld [smem:$0x3FB9]  }
0x3d: {  	_ =	shalt  }
0x3e: {  	_ =	shalt  }
0x3f: {  	_ =	shalt  }
0x40: {  	_ =	shalt  }
0x41: {  	_ =	shalt  }
0x42: {  	_ =	shalt  }
0x43: {  	_ =	shalt  }
0x44: {  	_ =	shalt  }
0x45: {  	_ =	shalt  }
0x46: {  	_ =	shalt  }
0x47: {  	_ =	shalt  }
0x48: {  	_ =	shalt  }
0x49: {  	_ =	shalt  }
0x4a: {  	_ =	shalt  }
0x4b: {  	_ =	shalt  }
0x4c: {  	_ =	shalt  }
0x4d: {  	_ =	shalt  }
0x4e: {  	_ =	shalt  }
0x4f: {  	_ =	shalt  }
0x50: {  	_ =	shalt  }
0x51: {  	_ =	shalt  }
0x52: {  	_ =	shalt  }
0x53: {  	_ =	shalt  }
0x54: {  	_ =	shalt  }
0x55: {  	_ =	shalt  }
0x56: {  	_ =	shalt  }
0x57: {  	_ =	shalt  }
0x58: {  	_ =	shalt  }
0x59: {  	_ =	shalt  }
0x5a: {  	_ =	shalt  }
0x5b: {  	_ =	shalt  }
0x5c: {  	_ =	shalt  }
0x5d: {  	_ =	shalt  }
0x5e: {  	_ =	shalt  }
0x5f: {  	_ =	shalt  }
0x60: {  	_ =	shalt  }
0x61: {  	_ =	shalt  }
0x62: {  	_ =	shalt  }
0x63: {  	_ =	shalt  }
0x64: {  	_ =	shalt  }
0x65: {  	_ =	shalt  }
0x66: {  	_ =	shalt  }
0x67: {  	_ =	shalt  }
0x68: {  	_ =	shalt  }
0x69: {  	_ =	shalt  }
0x6a: {  	_ =	shalt  }
0x6b: {  	_ =	shalt  }
0x6c: {  	_ =	shalt  }
0x6d: {  	_ =	shalt  }
0x6e: {  	_ =	shalt  }
0x6f: {  	_ =	shalt  }
0x70: {  	_ =	shalt  }
0x71: {  	_ =	shalt  }
0x72: {  	_ =	shalt  }
0x73: {  	_ =	shalt  }
0x74: {  	_ =	shalt  }
0x75: {  	_ =	shalt  }
0x76: {  	_ =	shalt  }
0x77: {  	_ =	shalt  }
0x78: {  	_ =	shalt  }
0x79: {  	_ =	shalt  }
0x7a: {  	_ =	shalt  }
0x7b: {  	_ =	shalt  }
0x7c: {  	_ =	shalt  }
0x7d: {  	_ =	shalt  }
0x7e: {  	_ =	shalt  }
0x7f: {  	_ =	shalt  }
0x80: {  	_ =	shalt  }
0x81: {  	_ =	shalt  }
0x82: {  	_ =	shalt  }
0x83: {  	_ =	shalt  }
0x84: {  	_ =	shalt  }
0x85: {  	_ =	shalt  }
0x86: {  	_ =	shalt  }
0x87: {  	_ =	shalt  }
.Lfunc_end0:
.L_simem_size_0:
called_computation_lowered:
.L_overlay_start_0:
0x88: {  	s2 =	sld [smem:$0x3FD9]  }
0x89: {  	s3 =	sld [smem:$0x3FFE];
	_ =	sdelay $0x1  }
0x8a: {  	s1 =	srdreg.scid  }
0x8b: {  	s0 =	sand.u32 $0x1, s1  }
0x8c: {  	s14 =	sshll.u32 s0, $0xA;
	s2 =	sadd.s32 s3, s2  }
0x8d: {  	s2 =	sadd.s32 s2, s14  }
0x8e: {  	[smem:$0x3FC5] =	sst s2  }
0x8f: {  	_ = 	snop  }
0x90: {  	s2 =	sld [smem:$0x3FD0];
	_ =	sdelay $0x2  }
0x91: {  	s4 =	simm.s32 $0xA;
	s5 =	simm.s32 $0x10;
	s15 =	sld [smem:$0x3FC7]  }
0x92: {  	[smem:s5], [sflag:s4] =	dma.local [hbm:s2], $0x1  }
0x93: {  	_ =	swait.eq [sflag:s4], $0x1  }
0x94: {  	[sflag:s4] =	ssyncset.done $0x0  }
0x95: {  	s16 =	sld [smem:$0x10];
	[sflag:s4] =	ssyncadd.s32 $0xFFFFFFFF  }
0x96: {  	s17 =	sld [smem:$0x11];
	(tm) =	ssettm $0x1  }
0x97: {  	s18 =	sld [smem:$0x3FFB];
	_ =	sdelay $0x3  }
0x98: {  	_ =	strace s18  }
0x99: {  	s5 =	sld [smem:$0x3FFC];
	_ =	sdelay $0x3  }
0x9a: {  	_ =	strace s5  }
0x9b: {  	s5 =	sld [smem:$0x3FFD];
	_ =	sdelay $0x3  }
0x9c: {  	_ =	strace s5  }
0x9d: {  	_ =	strace $0x8FFFFFFF  }
0x9e: {  	s19 =	sld [smem:$0x3FDB];
	_ =	sdelay $0x1  }
0x9f: {  	s6 =	simm.s32 $_scs_section_size  }
0xa0: {  	s7 =	simm.s32 $_size__tile_overlayer_lowered;
	s8 =	simm.s32 $_tile_overlayer_lowered  }
0xa1: {  	s22 =	simm.s32 $0x1BFF;
	s21 =	sshll.u32 s8, $0x1;
	s5 =	sadd.s32 s6, s19  }
0xa2: {  	s9 =	simm.s32 $0x0;
	s20 =	sshll.u32 s7, $0x1;
	s7 =	sadd.s32 s21, s5  }
0xa3: {  	[timem:s9], [sflag:s22] =	dma.local [hbm:s7], s20  }
0xa4: {  	_ =	swait.ge [sflag:s22], s20  }
0xa5: {  	s6 =	ssub.s32 $0x0, s20;
	[sflag:s22] =	ssyncset.done $0x0  }
0xa6: {  	[sflag:s22] =	ssyncadd.s32 s6;
	_ =	sdelay $0x1  }
0xa7: {  	s23 =	simm.s32 $0x1B8B  }
0xa8: {  	_ =	swait.ge [sflag:s23], $0x1  }
0xa9: {  	[sflag:s23] =	ssyncset.done $0x0  }
0xaa: {  	s25 =	simm.s32 $0x1B8E;
	s24 =	sld [smem:$0x3FFE];
	[sflag:s23] =	ssyncadd.s32 $0xFFFFFFFF  }
0xab: {  	s26 =	simm.s32 $execute0_lowered;
	[smem:$0x3FD2] =	sst s25  }
0xac: {  	s7 =	sshll.u32 s26, $0x1;
	_ =	strace $0x80000046;
	[dreg:$0x1] =	wrdreg $0xFFFFFFFF  }
0xad: {  	s28 =	simm.s32 $_size_execute0_lowered;
	s5 =	sadd.s32 s5, s7;
	[dreg:$0x0] =	wrdreg $0x0  }
0xae: {  	s7 =	sshll.u32 s28, $0x1;
	[dreg:$0x2] =	wrdreg s5  }
0xaf: {  	[dreg:$0x3] =	wrdreg s7  }
0xb0: {  	[dreg:$0x4] =	wrdreg $0xC0  }
0xb1: {  	_ =	task [dreg:s9], $0x5FFFF  }
0xb2: {  	[dreg:$0x1] =	wrdreg $0xFFFFFFFF  }
0xb3: {  	[dreg:$0x0] =	wrdreg $0x60  }
0xb4: {  	[dreg:$0x2] =	wrdreg s24  }
0xb5: {  	[dreg:$0x3] =	wrdreg s15  }
0xb6: {  	[dreg:$0x4] =	wrdreg s16  }
0xb7: {  	[dreg:$0x5] =	wrdreg s17  }
0xb8: {  	[dreg:$0x6] =	wrdreg $0x9  }
0xb9: {  	_ =	task.clear_ibuf [dreg:s9], $0x7FFFF;
	_ =	strace $0x90000046  }
0xba: {  	s29 =	simm.s32 $0x9;
	_ =	strace $0x80000048  }
0xbb: {  	_ =	swait.ge [sflag:s29], $0x1  }
0xbc: {  	[sflag:s29] =	ssyncadd.s32 $0xFFFFFFFF  }
0xbd: {  	_ =	strace $0x90000048  }
0xbe: {  	_ =	sfence  }
0xbf: {  	s30 =	sld [smem:$0x0];
	_ =	sdelay $0x2  }
0xc0: {  	s31 =	sshll.u32 s1, $0xD;
	s1 =	sshrl.u32 s1, $0x2  }
0xc1: {  	s3 =	sand.u32 $0x4000, s31;
	s1 =	sadd.s32 s1, s30  }
0xc2: {  	s0 =	sor.u32 s3, s0;
	s1 =	sshll.u32 s1, $0x11  }
0xc3: {  	s0 =	sor.u32 s1, s0  }
0xc4: {  	s0 =	sadd.s32 $0x8F2B, s0  }
0xc5: {  	[sflag:s0] =	ssyncadd.remote.s32 $0x1  }
0xc6: {  	_ =	sfence.sel $0xFFFF  }
0xc7: {  	[dreg:$0x0] =	wrdreg $0xFFFFFFFF;
	(pc) =	sbr.abs _section_cstart, $3  }
0xc8: {  	[dreg:$0x1] =	wrdreg $0xFFFFFFFF  }
0xc9: {  	_ =	task.clear_ibuf [dreg:s9], $0x2FFFF;
	_ =	strace $0x9FFFFFFF  }
0xca: {  	(tm) =	ssettm $0x7FFFFFFF  }
0xcb: {  	_ =	shalt  }
tec
execute0_lowered:
.L_overlay_start_1:
0x0: {  	(tag) =	ssettag $0x1  }
0x1: {  	s3 =	rddreg [dreg:$0x0]  }
0x2: {  	s5 =	rddreg [dreg:$0x1]  }
0x3: {  	s8 =	rddreg [dreg:$0x2];
	s1 =	srdreg.scid  }
0x4: {  	s0 =	stileid.u32;
	s9 =	rddreg [dreg:$0x3]  }
0x5: {  	s2 =	simm.s32 $0x0;
	s12 =	simm.s32 $0x2C80;
	s13 =	simm.s32 $0x5E80  }
0x6: {  	s14 =	simm.s32 $0x4680;
	s15 =	simm.s32 $0x7880;
	s16 =	simm.s32 $0x0  }
0x7: {  	s4 =	sand.u32 $0x1, s1;
	s6 =	sshll.u32 s0, $0x1;
	s1 =	rddreg [dreg:$0x4]  }
0x8: {  	[smem:$0x7FF] =	sst s2;
	s6 =	sor.u32 s4, s6;
	s4 =	ssub.s32 $0x2, s4  }
0x9: {  	s3 =	sadd.s32 $0x800, s3;
	s7 =	smul.u32 $0xC80, s6;
	s10 =	sshrl.u32 s4, $0x1  }
0xa: {  	_ =	strace $0x80000047;
	p0 =	seq.s32 s6, $0x1F;
	s10 =	ssub.s32 s4, s10  }
0xb: {  	s31 =	sshrl.u32 s7, $0x3;
	s7 =	simm.s32 @p0 $0x17A80;
	s10 =	smax.u32 s10, $0x1  }
0xc: {  	s4 =	sadd.s32 s5, s31;
	s5 =	sadd.s32 $0x2F50, s5;
	s11 =	sshrl.u32 s7, $0x1  }
0xd: {  	s6 =	sadd.s32 s8, s11;
	s7 =	sadd.s32 s9, s11;
	s11 =	sadd.s32 $0x340, s11  }
0xe: {  	s8 =	sadd.s32 s8, s11;
	s9 =	sadd.s32 s9, s11;
	s11 =	simm.s32 $0x1  }
.LBB2_1:
0xf: {  	[tilespmem:s2], [sflag:$0x1] =	stream.linear.gather [hbm4b:s3+s2], $0x2000, $0x38;
	[tilespmem:$0x9080] =	vst v63  }
0x10: {  	s17 =	simm.s32 @p0 $0x0;
	s18 =	simm.s32 @p0 $0x2000  }
0x11: {  	[tilespmem:s18], [sflag:$0x2] =	stream.linear.gather @p0 [hbm4b:s5+s17], $0xC20, $0x38;
	[tilespmem:$0x9080] =	vst v63  }
0x12: {  	s17 =	simm.s32 @p0 $0x2  }
0x13: {  	_ =	swait.ge @p0 [sflag:s17], $0xC20  }
0x14: {  	[sflag:s17] =	ssyncset.done @p0 $0x0  }
0x15: {  	v0 =	vimm.s32 @p0 $0x0;
	[sflag:s17] =	ssyncadd.s32 @p0 $0xFFFFF3E0  }
0x16: {  	[tilespmem:$0x2C20] =	vst @p0 v0  }
0x17: {  	[tilespmem:$0x2C30] =	vst @p0 v0  }
0x18: {  	[tilespmem:$0x2C40] =	vst @p0 v0  }
0x19: {  	[tilespmem:$0x2C50] =	vst @p0 v0  }
0x1a: {  	[tilespmem:$0x2C60] =	vst @p0 v0  }
0x1b: {  	s18 =	simm.s32 @!p0 $0x2000;
	s17 =	simm.s32 @!p0 $0x0;
	[tilespmem:$0x2C70] =	vst @p0 v0  }
0x1c: {  	[tilespmem:s18], [sflag:$0x2] =	stream.linear.gather @!p0 [hbm4b:s4+s17], $0xC80, $0x38;
	[tilespmem:$0x9080] =	vst v63  }
0x1d: {  	s17 =	simm.s32 @!p0 $0x2  }
0x1e: {  	_ =	swait.ge @!p0 [sflag:s17], $0xC80  }
0x1f: {  	[sflag:s17] =	ssyncset.done @!p0 $0x0  }
0x20: {  	[sflag:s17] =	ssyncadd.s32 @!p0 $0xFFFFF380  }
0x21: {  	_ =	swait.ge [sflag:s11], $0x2000  }
0x22: {  	[sflag:s11] =	ssyncset.done $0x0  }
0x23: {  	s18 =	simm.s32 $0x2040;
	s17 =	simm.s32 $0x5C0;
	[sflag:s11] =	ssyncadd.s32 $0xFFFFE000  }
.LBB2_2:
0x24: {  	v0 =	vld [tilespmem:s18+$0xFFFFFFC0];
	_ =	sdelay $0x1  }
0x25: {  	v2 =	vld [tilespmem:s18+$0xFFFFFFD0];
	_ =	sdelay $0x2  }
0x26: {  	v1 =	vshrl.u32 v0, $0x7  }
0x27: {  	v1 =	vmul.u32 $0x180, v1  }
0x28: {  	v28 =	vshrl.u32 v2, $0x7  }
0x29: {  	v3 =	vld [tilespmem:s18+$0xFFFFFFE0];
	v9 =	vmul.u32 $0x180, v28;
	v1 =	vadd.s32 v0, v1  }
0x2a: {  	v5 =	vld [tilespmem:s18+$0xFFFFFFF0];
	v0 =	vand.u32 $0x7F, v0;
	v4 =	vand.u32 $0xFFFFFF80, v1  }
0x2b: {  	v6 =	vld [tilespmem:s18+$0x0];
	v9 =	vadd.s32 v2, v9;
	v4 =	vor.u32 v0, v4  }
0x2c: {  	v8 =	vld [tilespmem:s18+$0x10];
	v7 =	vadd.s32 $0x80, v4  }
0x2d: {  	v11 =	vld [tilespmem:s18+$0x20];
	v10 =	vadd.s32 $0x100, v4  }
0x2e: {  	v29 =	vld [tilespmem:s18+$0x30];
	v12 =	vadd.s32 $0x1000, v4  }
0x2f: {  	v2 =	vand.u32 $0x7F, v2;
	v14 =	vand.u32 $0xFFFFFF80, v9;
	v13 =	vadd.s32 $0x1080, v4;
	v1 =	vld.idx.msk [tilespmem:v1+s2+$0x0], $0xffff  }
0x30: {  	v2 =	vor.u32 v2, v14;
	v4 =	vadd.s32 $0x1100, v4;
	v9 =	vld.idx.msk [tilespmem:v9+s2+$0x0], $0xffff  }
0x31: {  	v14 =	vadd.s32 $0x80, v2;
	v7 =	vld.idx.msk [tilespmem:v7+s2+$0x0], $0xffff  }
0x32: {  	v15 =	vadd.s32 $0x100, v2;
	v10 =	vld.idx.msk [tilespmem:v10+s2+$0x0], $0xffff  }
0x33: {  	v16 =	vadd.s32 $0x1000, v2;
	v12 =	vld.idx.msk [tilespmem:v12+s2+$0x0], $0xffff  }
0x34: {  	v17 =	vadd.s32 $0x1080, v2;
	v13 =	vld.idx.msk [tilespmem:v13+s2+$0x0], $0xffff  }
0x35: {  	v2 =	vadd.s32 $0x1100, v2;
	v4 =	vld.idx.msk [tilespmem:v4+s2+$0x0], $0xffff  }
0x36: {  	v18 =	vshrl.u32 v3, $0x7;
	v14 =	vld.idx.msk [tilespmem:v14+s2+$0x0], $0xffff  }
0x37: {  	v18 =	vmul.u32 $0x180, v18;
	v15 =	vld.idx.msk [tilespmem:v15+s2+$0x0], $0xffff  }
0x38: {  	v16 =	vld.idx.msk [tilespmem:v16+s2+$0x0], $0xffff  }
0x39: {  	s19 =	sshra.s32 s17, $0x2;
	v18 =	vadd.s32 v3, v18;
	v17 =	vld.idx.msk [tilespmem:v17+s2+$0x0], $0xffff  }
0x3a: {  	v3 =	vand.u32 $0x7F, v3;
	v30 =	vand.u32 $0xFFFFFF80, v18;
	v2 =	vld.idx.msk [tilespmem:v2+s2+$0x0], $0xffff;
	[tilespmem:s19+$0x2B10] =	vst v1  }
0x3b: {  	v1 =	vor.u32 v3, v30;
	[tilespmem:s19+$0x2B90] =	vst v7  }
0x3c: {  	v3 =	vadd.s32 $0x80, v1;
	[tilespmem:s19+$0x2C10] =	vst v10  }
0x3d: {  	v31 =	vadd.s32 $0x100, v1;
	[tilespmem:s19+$0x5D10] =	vst v12  }
0x3e: {  	v32 =	vadd.s32 $0x1000, v1;
	[tilespmem:s19+$0x5D90] =	vst v13  }
0x3f: {  	v33 =	vadd.s32 $0x1080, v1;
	[tilespmem:s19+$0x5E10] =	vst v4  }
0x40: {  	v1 =	vadd.s32 $0x1100, v1;
	v12 =	vld.idx.msk [tilespmem:v18+s2+$0x0], $0xffff  }
0x41: {  	v34 =	vshrl.u32 v5, $0x7;
	v3 =	vld.idx.msk [tilespmem:v3+s2+$0x0], $0xffff  }
0x42: {  	v13 =	vmul.u32 $0x180, v34;
	v7 =	vld.idx.msk [tilespmem:v31+s2+$0x0], $0xffff  }
0x43: {  	v10 =	vld.idx.msk [tilespmem:v32+s2+$0x0], $0xffff  }
0x44: {  	v13 =	vadd.s32 v5, v13;
	v4 =	vld.idx.msk [tilespmem:v33+s2+$0x0], $0xffff  }
0x45: {  	v5 =	vand.u32 $0x7F, v5;
	v1 =	vld.idx.msk [tilespmem:v1+s2+$0x0], $0xffff;
	[tilespmem:s19+$0x2B20] =	vst v9;
	v35 =	vand.u32 $0xFFFFFF80, v13  }
0x46: {  	[tilespmem:s19+$0x2BA0] =	vst v14;
	v5 =	vor.u32 v5, v35  }
0x47: {  	[tilespmem:s19+$0x2C20] =	vst v15;
	v9 =	vadd.s32 $0x80, v5  }
0x48: {  	[tilespmem:s19+$0x5D20] =	vst v16;
	v36 =	vadd.s32 $0x100, v5  }
0x49: {  	[tilespmem:s19+$0x5DA0] =	vst v17;
	v37 =	vadd.s32 $0x1000, v5  }
0x4a: {  	[tilespmem:s19+$0x5E20] =	vst v2;
	v38 =	vadd.s32 $0x1080, v5  }
0x4b: {  	v5 =	vadd.s32 $0x1100, v5;
	v13 =	vld.idx.msk [tilespmem:v13+s2+$0x0], $0xffff  }
0x4c: {  	v39 =	vshrl.u32 v6, $0x7;
	v9 =	vld.idx.msk [tilespmem:v9+s2+$0x0], $0xffff  }
0x4d: {  	v16 =	vmul.u32 $0x180, v39;
	v14 =	vld.idx.msk [tilespmem:v36+s2+$0x0], $0xffff  }
0x4e: {  	v15 =	vld.idx.msk [tilespmem:v37+s2+$0x0], $0xffff  }
0x4f: {  	v16 =	vadd.s32 v6, v16;
	v2 =	vld.idx.msk [tilespmem:v38+s2+$0x0], $0xffff  }
0x50: {  	v6 =	vand.u32 $0x7F, v6;
	v40 =	vand.u32 $0xFFFFFF80, v16;
	v5 =	vld.idx.msk [tilespmem:v5+s2+$0x0], $0xffff;
	[tilespmem:s19+$0x2B30] =	vst v12  }
0x51: {  	v41 =	vor.u32 v6, v40;
	[tilespmem:s19+$0x2BB0] =	vst v3  }
0x52: {  	v6 =	vadd.s32 $0x80, v41;
	[tilespmem:s19+$0x2C30] =	vst v7  }
0x53: {  	v42 =	vadd.s32 $0x100, v41;
	[tilespmem:s19+$0x5D30] =	vst v10  }
0x54: {  	v43 =	vadd.s32 $0x1000, v41;
	[tilespmem:s19+$0x5DB0] =	vst v4  }
0x55: {  	v44 =	vadd.s32 $0x1080, v41;
	[tilespmem:s19+$0x5E30] =	vst v1  }
0x56: {  	v3 =	vadd.s32 $0x1100, v41;
	v10 =	vld.idx.msk [tilespmem:v16+s2+$0x0], $0xffff  }
0x57: {  	v45 =	vshrl.u32 v8, $0x7;
	v6 =	vld.idx.msk [tilespmem:v6+s2+$0x0], $0xffff  }
0x58: {  	v12 =	vmul.u32 $0x180, v45;
	v7 =	vld.idx.msk [tilespmem:v42+s2+$0x0], $0xffff  }
0x59: {  	v4 =	vld.idx.msk [tilespmem:v43+s2+$0x0], $0xffff  }
0x5a: {  	v12 =	vadd.s32 v8, v12;
	v1 =	vld.idx.msk [tilespmem:v44+s2+$0x0], $0xffff  }
0x5b: {  	v8 =	vand.u32 $0x7F, v8;
	v46 =	vand.u32 $0xFFFFFF80, v12;
	v3 =	vld.idx.msk [tilespmem:v3+s2+$0x0], $0xffff;
	[tilespmem:s19+$0x2B40] =	vst v13  }
0x5c: {  	v8 =	vor.u32 v8, v46;
	[tilespmem:s19+$0x2BC0] =	vst v9  }
0x5d: {  	[tilespmem:s19+$0x2C40] =	vst v14;
	v47 =	vadd.s32 $0x80, v8  }
0x5e: {  	[tilespmem:s19+$0x5D40] =	vst v15;
	v13 =	vadd.s32 $0x100, v8  }
0x5f: {  	[tilespmem:s19+$0x5DC0] =	vst v2;
	v48 =	vadd.s32 $0x1000, v8  }
0x60: {  	[tilespmem:s19+$0x5E40] =	vst v5;
	v49 =	vadd.s32 $0x1080, v8  }
0x61: {  	v8 =	vadd.s32 $0x1100, v8;
	v12 =	vld.idx.msk [tilespmem:v12+s2+$0x0], $0xffff  }
0x62: {  	v50 =	vshrl.u32 v11, $0x7;
	v9 =	vld.idx.msk [tilespmem:v47+s2+$0x0], $0xffff  }
0x63: {  	v14 =	vmul.u32 $0x180, v50;
	v13 =	vld.idx.msk [tilespmem:v13+s2+$0x0], $0xffff  }
0x64: {  	v2 =	vld.idx.msk [tilespmem:v48+s2+$0x0], $0xffff  }
0x65: {  	v14 =	vadd.s32 v11, v14;
	v5 =	vld.idx.msk [tilespmem:v49+s2+$0x0], $0xffff  }
0x66: {  	v11 =	vand.u32 $0x7F, v11;
	v51 =	vand.u32 $0xFFFFFF80, v14;
	v8 =	vld.idx.msk [tilespmem:v8+s2+$0x0], $0xffff;
	[tilespmem:s19+$0x2B50] =	vst v10  }
0x67: {  	v52 =	vor.u32 v11, v51;
	[tilespmem:s19+$0x2BD0] =	vst v6  }
0x68: {  	[tilespmem:s19+$0x2C50] =	vst v7;
	v53 =	vadd.s32 $0x80, v52  }
0x69: {  	[tilespmem:s19+$0x5D50] =	vst v4;
	v54 =	vadd.s32 $0x100, v52  }
0x6a: {  	[tilespmem:s19+$0x5DD0] =	vst v1;
	v55 =	vadd.s32 $0x1000, v52  }
0x6b: {  	[tilespmem:s19+$0x5E50] =	vst v3;
	v56 =	vadd.s32 $0x1080, v52  }
0x6c: {  	v6 =	vadd.s32 $0x1100, v52;
	v57 =	vld.idx.msk [tilespmem:v14+s2+$0x0], $0xffff  }
0x6d: {  	v58 =	vshrl.u32 v29, $0x7;
	v7 =	vld.idx.msk [tilespmem:v53+s2+$0x0], $0xffff  }
0x6e: {  	v11 =	vmul.u32 $0x180, v58;
	v4 =	vld.idx.msk [tilespmem:v54+s2+$0x0], $0xffff  }
0x6f: {  	v1 =	vld.idx.msk [tilespmem:v55+s2+$0x0], $0xffff  }
0x70: {  	v11 =	vadd.s32 v29, v11;
	v3 =	vld.idx.msk [tilespmem:v56+s2+$0x0], $0xffff  }
0x71: {  	v0 =	vand.u32 $0x7F, v29;
	v59 =	vand.u32 $0xFFFFFF80, v11;
	v6 =	vld.idx.msk [tilespmem:v6+s2+$0x0], $0xffff;
	[tilespmem:s19+$0x2B60] =	vst v12  }
0x72: {  	v0 =	vor.u32 v0, v59;
	[tilespmem:s19+$0x2BE0] =	vst v9  }
0x73: {  	v60 =	vadd.s32 $0x80, v0;
	[tilespmem:s19+$0x2C60] =	vst v13  }
0x74: {  	v61 =	vadd.s32 $0x100, v0;
	[tilespmem:s19+$0x5D60] =	vst v2  }
0x75: {  	v62 =	vadd.s32 $0x1000, v0;
	[tilespmem:s19+$0x5DE0] =	vst v5  }
0x76: {  	v63 =	vadd.s32 $0x1080, v0;
	[tilespmem:s19+$0x5E60] =	vst v8  }
0x77: {  	v0 =	vadd.s32 $0x1100, v0;
	v11 =	vld.idx.msk [tilespmem:v11+s2+$0x0], $0xffff  }
0x78: {  	v9 =	vld.idx.msk [tilespmem:v60+s2+$0x0], $0xffff  }
0x79: {  	v2 =	vld.idx.msk [tilespmem:v61+s2+$0x0], $0xffff  }
0x7a: {  	v5 =	vld.idx.msk [tilespmem:v62+s2+$0x0], $0xffff  }
0x7b: {  	v8 =	vld.idx.msk [tilespmem:v63+s2+$0x0], $0xffff  }
0x7c: {  	v0 =	vld.idx.msk [tilespmem:v0+s2+$0x0], $0xffff;
	[tilespmem:s19+$0x2B70] =	vst v57  }
0x7d: {  	[tilespmem:s19+$0x2BF0] =	vst v7  }
0x7e: {  	[tilespmem:s19+$0x2C70] =	vst v4  }
0x7f: {  	[tilespmem:s19+$0x5D70] =	vst v1  }
0x80: {  	[tilespmem:s19+$0x5DF0] =	vst v3  }
0x81: {  	[tilespmem:s19+$0x5E70] =	vst v6  }
0x82: {  	p1 =	sne.s32 s17, $0x65C0;
	[tilespmem:s19+$0x2B80] =	vst v11  }
.Ltmp0:
0x83: {  	[tilespmem:s19+$0x2C00] =	vst v9;
	(pc) =	sbr.rel @p1 .LBB2_2-.Ltmp0, $4  }
0x84: {  	[tilespmem:s19+$0x2C80] =	vst v2  }
0x85: {  	[tilespmem:s19+$0x5D80] =	vst v5  }
0x86: {  	[tilespmem:s19+$0x5E00] =	vst v8  }
0x87: {  	s18 =	sadd.s32 $0x80, s18;
	s17 =	sadd.s32 $0x800, s17;
	[tilespmem:s19+$0x5E80] =	vst v0  }
0x88: {  	s17 =	simm.s32 $0x0  }
0x89: {  	[hbm4b:s6+s17] =	stream.linear.scatter [tilespmem:s12], [sflag:$0x1], $0x1A00, $0x38;
	[tilespmem:$0x9080] =	vst v63  }
0x8a: {  	s18 =	simm.s32 $0x26F0  }
0x8b: {  	[hbm4b:s7+s17] =	stream.linear.scatter [tilespmem:s13], [sflag:$0x1], $0x1A00, $0x38;
	[tilespmem:$0x9080] =	vst v63  }
.LBB2_4:
0x8c: {  	v0 =	vld [tilespmem:s18+$0xFFFFFF90];
	_ =	sdelay $0x1  }
0x8d: {  	v2 =	vld [tilespmem:s18+$0xFFFFFFA0];
	_ =	sdelay $0x2  }
0x8e: {  	v1 =	vshrl.u32 v0, $0x7  }
0x8f: {  	v1 =	vmul.u32 $0x180, v1  }
0x90: {  	v28 =	vshrl.u32 v2, $0x7  }
0x91: {  	v3 =	vld [tilespmem:s18+$0xFFFFFFB0];
	v9 =	vmul.u32 $0x180, v28;
	v1 =	vadd.s32 v0, v1  }
0x92: {  	v5 =	vld [tilespmem:s18+$0xFFFFFFC0];
	v0 =	vand.u32 $0x7F, v0;
	v4 =	vand.u32 $0xFFFFFF80, v1  }
0x93: {  	v6 =	vld [tilespmem:s18+$0xFFFFFFD0];
	v9 =	vadd.s32 v2, v9;
	v4 =	vor.u32 v0, v4  }
0x94: {  	v8 =	vld [tilespmem:s18+$0xFFFFFFE0];
	v7 =	vadd.s32 $0x80, v4  }
0x95: {  	v11 =	vld [tilespmem:s18+$0xFFFFFFF0];
	v10 =	vadd.s32 $0x100, v4  }
0x96: {  	v29 =	vld [tilespmem:s18+$0x0];
	v12 =	vadd.s32 $0x1000, v4  }
0x97: {  	v2 =	vand.u32 $0x7F, v2;
	v14 =	vand.u32 $0xFFFFFF80, v9;
	v13 =	vadd.s32 $0x1080, v4;
	v1 =	vld.idx.msk [tilespmem:v1+s2+$0x0], $0xffff  }
0x98: {  	v2 =	vor.u32 v2, v14;
	v4 =	vadd.s32 $0x1100, v4;
	v9 =	vld.idx.msk [tilespmem:v9+s2+$0x0], $0xffff  }
0x99: {  	v14 =	vadd.s32 $0x80, v2;
	v7 =	vld.idx.msk [tilespmem:v7+s2+$0x0], $0xffff  }
0x9a: {  	v15 =	vadd.s32 $0x100, v2;
	v10 =	vld.idx.msk [tilespmem:v10+s2+$0x0], $0xffff  }
0x9b: {  	v16 =	vadd.s32 $0x1000, v2;
	v12 =	vld.idx.msk [tilespmem:v12+s2+$0x0], $0xffff  }
0x9c: {  	v17 =	vadd.s32 $0x1080, v2;
	v13 =	vld.idx.msk [tilespmem:v13+s2+$0x0], $0xffff  }
0x9d: {  	v2 =	vadd.s32 $0x1100, v2;
	v4 =	vld.idx.msk [tilespmem:v4+s2+$0x0], $0xffff  }
0x9e: {  	v18 =	vshrl.u32 v3, $0x7;
	v14 =	vld.idx.msk [tilespmem:v14+s2+$0x0], $0xffff  }
0x9f: {  	v18 =	vmul.u32 $0x180, v18;
	v15 =	vld.idx.msk [tilespmem:v15+s2+$0x0], $0xffff  }
0xa0: {  	v16 =	vld.idx.msk [tilespmem:v16+s2+$0x0], $0xffff  }
0xa1: {  	s19 =	sshra.s32 s17, $0x2;
	v18 =	vadd.s32 v3, v18;
	v17 =	vld.idx.msk [tilespmem:v17+s2+$0x0], $0xffff  }
0xa2: {  	v3 =	vand.u32 $0x7F, v3;
	v30 =	vand.u32 $0xFFFFFF80, v18;
	v2 =	vld.idx.msk [tilespmem:v2+s2+$0x0], $0xffff;
	[tilespmem:s19+$0x4680] =	vst v1  }
0xa3: {  	v1 =	vor.u32 v3, v30;
	[tilespmem:s19+$0x4700] =	vst v7  }
0xa4: {  	v3 =	vadd.s32 $0x80, v1;
	[tilespmem:s19+$0x4780] =	vst v10  }
0xa5: {  	v31 =	vadd.s32 $0x100, v1;
	[tilespmem:s19+$0x7880] =	vst v12  }
0xa6: {  	v32 =	vadd.s32 $0x1000, v1;
	[tilespmem:s19+$0x7900] =	vst v13  }
0xa7: {  	v33 =	vadd.s32 $0x1080, v1;
	[tilespmem:s19+$0x7980] =	vst v4  }
0xa8: {  	v1 =	vadd.s32 $0x1100, v1;
	v12 =	vld.idx.msk [tilespmem:v18+s2+$0x0], $0xffff  }
0xa9: {  	v34 =	vshrl.u32 v5, $0x7;
	v3 =	vld.idx.msk [tilespmem:v3+s2+$0x0], $0xffff  }
0xaa: {  	v13 =	vmul.u32 $0x180, v34;
	v7 =	vld.idx.msk [tilespmem:v31+s2+$0x0], $0xffff  }
0xab: {  	v10 =	vld.idx.msk [tilespmem:v32+s2+$0x0], $0xffff  }
0xac: {  	v13 =	vadd.s32 v5, v13;
	v4 =	vld.idx.msk [tilespmem:v33+s2+$0x0], $0xffff  }
0xad: {  	v5 =	vand.u32 $0x7F, v5;
	v1 =	vld.idx.msk [tilespmem:v1+s2+$0x0], $0xffff;
	[tilespmem:s19+$0x4690] =	vst v9;
	v35 =	vand.u32 $0xFFFFFF80, v13  }
0xae: {  	[tilespmem:s19+$0x4710] =	vst v14;
	v5 =	vor.u32 v5, v35  }
0xaf: {  	[tilespmem:s19+$0x4790] =	vst v15;
	v9 =	vadd.s32 $0x80, v5  }
0xb0: {  	[tilespmem:s19+$0x7890] =	vst v16;
	v36 =	vadd.s32 $0x100, v5  }
0xb1: {  	[tilespmem:s19+$0x7910] =	vst v17;
	v37 =	vadd.s32 $0x1000, v5  }
0xb2: {  	[tilespmem:s19+$0x7990] =	vst v2;
	v38 =	vadd.s32 $0x1080, v5  }
0xb3: {  	v5 =	vadd.s32 $0x1100, v5;
	v13 =	vld.idx.msk [tilespmem:v13+s2+$0x0], $0xffff  }
0xb4: {  	v39 =	vshrl.u32 v6, $0x7;
	v9 =	vld.idx.msk [tilespmem:v9+s2+$0x0], $0xffff  }
0xb5: {  	v16 =	vmul.u32 $0x180, v39;
	v14 =	vld.idx.msk [tilespmem:v36+s2+$0x0], $0xffff  }
0xb6: {  	v15 =	vld.idx.msk [tilespmem:v37+s2+$0x0], $0xffff  }
0xb7: {  	v16 =	vadd.s32 v6, v16;
	v2 =	vld.idx.msk [tilespmem:v38+s2+$0x0], $0xffff  }
0xb8: {  	v6 =	vand.u32 $0x7F, v6;
	v40 =	vand.u32 $0xFFFFFF80, v16;
	v5 =	vld.idx.msk [tilespmem:v5+s2+$0x0], $0xffff;
	[tilespmem:s19+$0x46A0] =	vst v12  }
0xb9: {  	v41 =	vor.u32 v6, v40;
	[tilespmem:s19+$0x4720] =	vst v3  }
0xba: {  	v6 =	vadd.s32 $0x80, v41;
	[tilespmem:s19+$0x47A0] =	vst v7  }
0xbb: {  	v42 =	vadd.s32 $0x100, v41;
	[tilespmem:s19+$0x78A0] =	vst v10  }
0xbc: {  	v43 =	vadd.s32 $0x1000, v41;
	[tilespmem:s19+$0x7920] =	vst v4  }
0xbd: {  	v44 =	vadd.s32 $0x1080, v41;
	[tilespmem:s19+$0x79A0] =	vst v1  }
0xbe: {  	v3 =	vadd.s32 $0x1100, v41;
	v10 =	vld.idx.msk [tilespmem:v16+s2+$0x0], $0xffff  }
0xbf: {  	v45 =	vshrl.u32 v8, $0x7;
	v6 =	vld.idx.msk [tilespmem:v6+s2+$0x0], $0xffff  }
0xc0: {  	v12 =	vmul.u32 $0x180, v45;
	v7 =	vld.idx.msk [tilespmem:v42+s2+$0x0], $0xffff  }
0xc1: {  	v4 =	vld.idx.msk [tilespmem:v43+s2+$0x0], $0xffff  }
0xc2: {  	v12 =	vadd.s32 v8, v12;
	v1 =	vld.idx.msk [tilespmem:v44+s2+$0x0], $0xffff  }
0xc3: {  	v8 =	vand.u32 $0x7F, v8;
	v46 =	vand.u32 $0xFFFFFF80, v12;
	v3 =	vld.idx.msk [tilespmem:v3+s2+$0x0], $0xffff;
	[tilespmem:s19+$0x46B0] =	vst v13  }
0xc4: {  	v8 =	vor.u32 v8, v46;
	[tilespmem:s19+$0x4730] =	vst v9  }
0xc5: {  	[tilespmem:s19+$0x47B0] =	vst v14;
	v47 =	vadd.s32 $0x80, v8  }
0xc6: {  	[tilespmem:s19+$0x78B0] =	vst v15;
	v13 =	vadd.s32 $0x100, v8  }
0xc7: {  	[tilespmem:s19+$0x7930] =	vst v2;
	v48 =	vadd.s32 $0x1000, v8  }
0xc8: {  	[tilespmem:s19+$0x79B0] =	vst v5;
	v49 =	vadd.s32 $0x1080, v8  }
0xc9: {  	v8 =	vadd.s32 $0x1100, v8;
	v12 =	vld.idx.msk [tilespmem:v12+s2+$0x0], $0xffff  }
0xca: {  	v50 =	vshrl.u32 v11, $0x7;
	v9 =	vld.idx.msk [tilespmem:v47+s2+$0x0], $0xffff  }
0xcb: {  	v14 =	vmul.u32 $0x180, v50;
	v13 =	vld.idx.msk [tilespmem:v13+s2+$0x0], $0xffff  }
0xcc: {  	v2 =	vld.idx.msk [tilespmem:v48+s2+$0x0], $0xffff  }
0xcd: {  	v14 =	vadd.s32 v11, v14;
	v5 =	vld.idx.msk [tilespmem:v49+s2+$0x0], $0xffff  }
0xce: {  	v11 =	vand.u32 $0x7F, v11;
	v51 =	vand.u32 $0xFFFFFF80, v14;
	v8 =	vld.idx.msk [tilespmem:v8+s2+$0x0], $0xffff;
	[tilespmem:s19+$0x46C0] =	vst v10  }
0xcf: {  	v52 =	vor.u32 v11, v51;
	[tilespmem:s19+$0x4740] =	vst v6  }
0xd0: {  	[tilespmem:s19+$0x47C0] =	vst v7;
	v53 =	vadd.s32 $0x80, v52  }
0xd1: {  	[tilespmem:s19+$0x78C0] =	vst v4;
	v54 =	vadd.s32 $0x100, v52  }
0xd2: {  	[tilespmem:s19+$0x7940] =	vst v1;
	v55 =	vadd.s32 $0x1000, v52  }
0xd3: {  	[tilespmem:s19+$0x79C0] =	vst v3;
	v56 =	vadd.s32 $0x1080, v52  }
0xd4: {  	v6 =	vadd.s32 $0x1100, v52;
	v57 =	vld.idx.msk [tilespmem:v14+s2+$0x0], $0xffff  }
0xd5: {  	v58 =	vshrl.u32 v29, $0x7;
	v7 =	vld.idx.msk [tilespmem:v53+s2+$0x0], $0xffff  }
0xd6: {  	v11 =	vmul.u32 $0x180, v58;
	v4 =	vld.idx.msk [tilespmem:v54+s2+$0x0], $0xffff  }
0xd7: {  	v1 =	vld.idx.msk [tilespmem:v55+s2+$0x0], $0xffff  }
0xd8: {  	v11 =	vadd.s32 v29, v11;
	v3 =	vld.idx.msk [tilespmem:v56+s2+$0x0], $0xffff  }
0xd9: {  	v0 =	vand.u32 $0x7F, v29;
	v59 =	vand.u32 $0xFFFFFF80, v11;
	v6 =	vld.idx.msk [tilespmem:v6+s2+$0x0], $0xffff;
	[tilespmem:s19+$0x46D0] =	vst v12  }
0xda: {  	v0 =	vor.u32 v0, v59;
	[tilespmem:s19+$0x4750] =	vst v9  }
0xdb: {  	v60 =	vadd.s32 $0x80, v0;
	[tilespmem:s19+$0x47D0] =	vst v13  }
0xdc: {  	v61 =	vadd.s32 $0x100, v0;
	[tilespmem:s19+$0x78D0] =	vst v2  }
0xdd: {  	v62 =	vadd.s32 $0x1000, v0;
	[tilespmem:s19+$0x7950] =	vst v5  }
0xde: {  	v63 =	vadd.s32 $0x1080, v0;
	[tilespmem:s19+$0x79D0] =	vst v8  }
0xdf: {  	v0 =	vadd.s32 $0x1100, v0;
	v11 =	vld.idx.msk [tilespmem:v11+s2+$0x0], $0xffff  }
0xe0: {  	v9 =	vld.idx.msk [tilespmem:v60+s2+$0x0], $0xffff  }
0xe1: {  	v2 =	vld.idx.msk [tilespmem:v61+s2+$0x0], $0xffff  }
0xe2: {  	v5 =	vld.idx.msk [tilespmem:v62+s2+$0x0], $0xffff  }
0xe3: {  	v8 =	vld.idx.msk [tilespmem:v63+s2+$0x0], $0xffff  }
0xe4: {  	v0 =	vld.idx.msk [tilespmem:v0+s2+$0x0], $0xffff;
	[tilespmem:s19+$0x46E0] =	vst v57  }
0xe5: {  	[tilespmem:s19+$0x4760] =	vst v7  }
0xe6: {  	[tilespmem:s19+$0x47E0] =	vst v4  }
0xe7: {  	[tilespmem:s19+$0x78E0] =	vst v1  }
0xe8: {  	[tilespmem:s19+$0x7960] =	vst v3  }
0xe9: {  	[tilespmem:s19+$0x79E0] =	vst v6  }
0xea: {  	p1 =	sne.s32 s17, $0x5800;
	[tilespmem:s19+$0x46F0] =	vst v11  }
.Ltmp1:
0xeb: {  	[tilespmem:s19+$0x4770] =	vst v9;
	(pc) =	sbr.rel @p1 .LBB2_4-.Ltmp1, $4  }
0xec: {  	[tilespmem:s19+$0x47F0] =	vst v2  }
0xed: {  	[tilespmem:s19+$0x78F0] =	vst v5  }
0xee: {  	[tilespmem:s19+$0x7970] =	vst v8  }
0xef: {  	s18 =	sadd.s32 $0x80, s18;
	s17 =	sadd.s32 $0x800, s17;
	[tilespmem:s19+$0x79F0] =	vst v0  }
0xf0: {  	[hbm4b:s8+s2] =	stream.linear.scatter [tilespmem:s14], [sflag:$0x1], $0x1800, $0x38;
	[tilespmem:$0x9080] =	vst v63  }
0xf1: {  	_ = 	snop  }
0xf2: {  	[hbm4b:s9+s2] =	stream.linear.scatter [tilespmem:s15], [sflag:$0x1], $0x1800, $0x38;
	[tilespmem:$0x9080] =	vst v63  }
0xf3: {  	_ =	swait.ge [sflag:s11], $0x1A00  }
0xf4: {  	[sflag:s11] =	ssyncset.done $0x0  }
0xf5: {  	[sflag:s11] =	ssyncadd.s32 $0xFFFFE600  }
0xf6: {  	_ =	swait.ge [sflag:s11], $0x1A00  }
0xf7: {  	[sflag:s11] =	ssyncset.done $0x0  }
0xf8: {  	s16 =	sadd.s32 $0x1, s16;
	[sflag:s11] =	ssyncadd.s32 $0xFFFFE600  }
0xf9: {  	p1 =	sne.s32 s16, s10;
	_ =	swait.ge [sflag:s11], $0x1800  }
.Ltmp2:
0xfa: {  	[sflag:s11] =	ssyncset.done $0x0;
	(pc) =	sbr.rel @p1 .LBB2_1-.Ltmp2, $4  }
0xfb: {  	[sflag:s11] =	ssyncadd.s32 $0xFFFFE800  }
0xfc: {  	_ =	swait.ge [sflag:s11], $0x1800  }
0xfd: {  	[sflag:s11] =	ssyncset.done $0x0  }
0xfe: {  	[sflag:s11] =	ssyncadd.s32 $0xFFFFE800  }
0xff: {  	_ =	sfence.sel $0x180000  }
0x100: {  	[bflag:$0x0] =	sbarrier.arrive $0xFFFF  }
0x101: {  	p0 =	sne.s32 s0, $0x0;
	_ =	strace $0x90000047  }
0x102: {  	s0 =	sadd.s32 @!p0 $0x100000, s1;
	[bflag:$0x2] =	sbarrier.arrive $0xFFFF  }
0x103: {  	[sflag:s0] =	ssyncadd.tile.s32 @!p0 $0x1;
	_ =	shalt  }
.Lfunc_end2:
_tile_overlayer_lowered:
.L_overlay_start_2:
0x104: {  	(tag) =	ssettag $0x2  }
0x105: {  	s0 =	rddreg [dreg:$0x0];
	s2 =	stileid.u32  }
0x106: {  	s1 =	rddreg [dreg:$0x1];
	p0 =	sne.s32 s2, $0x0  }
0x107: {  	s3 =	rddreg [dreg:$0x2];
	[bflag:$0x3] =	sbarrier.arrive $0xFFFF;
	s2 =	simm.s32 @!p0 $0x1C02  }
0x108: {  	[timem:s3], [sflag:s2] =	dma.local @!p0 [hbm:s0], s1  }
0x109: {  	s0 =	simm.s32 @!p0 $0x2  }
0x10a: {  	_ =	swait.ge @!p0 [sflag:s0], s1  }
0x10b: {  	s1 =	ssub.s32 @!p0 $0x0, s1;
	[sflag:s0] =	ssyncset.done @!p0 $0x0  }
0x10c: {  	[sflag:s0] =	ssyncadd.s32 @!p0 s1  }
0x10d: {  	[bflag:$0x3] =	sbarrier.arrive $0xFFFF  }
0x10e: {  	_ =	shalt  }

</sc_bundles>
